<compile_context>
chip_gen: v7x
topology: tpu7x:2x2x1
jax: 0.10.2.dev20260603
libtpu: 0.0.44.dev20260713+nightly
codegen_flags: <defaults>
</compile_context>

<pallas_src>
import functools

import jax
import jax.numpy as jnp
from jax import lax
from jax.experimental import pallas as pl
from jax.experimental.pallas import tpu as pltpu
from jax.experimental.pallas import tpu_sc as plsc

B = 256
H = 768
G = 8192
GS = 16
L = G * GS
D = 300
DP = 304
K = 10
KP = 16

GB = 1024
NG = G // GB

LB = 4096
NL = L // LB
LT = LB // 128

NC = 2
NS = 16
NW = NC * NS
RPW = B // NW



def _tc_body(hidden_ref, w0_ref, b0_ref, w1_ref, b1_ref,
             scores_ref, idx_ref, emb_ref, acc_ref):
    j = pl.program_id(0)
    h = hidden_ref[...]
    blk = jnp.dot(h, w0_ref[...], preferred_element_type=jnp.float32)
    blk = blk + b0_ref[...]
    acc_ref[:, pl.ds(j * GB, GB)] = blk

    @pl.when(j == 0)
    def _():
        emb_ref[...] = (jnp.dot(h, w1_ref[...],
                                preferred_element_type=jnp.float32)
                        + b1_ref[...])

    @pl.when(j == NG - 1)
    def _():
        iota = lax.broadcasted_iota(jnp.int32, (B, G), 1)
        l16 = lax.broadcasted_iota(jnp.int32, (1, KP), 1)

        def body(k, carry):
            sc, ix = carry
            x = acc_ref[...]
            m = jnp.max(x, axis=1, keepdims=True)
            am = jnp.min(jnp.where(x >= m, iota, G), axis=1,
                         keepdims=True)
            acc_ref[...] = jnp.where(iota == am, -jnp.inf, x)
            sc = jnp.where(l16 == k, m, sc)
            ix = jnp.where(l16 == k, am, ix)
            return sc, ix

        sc, ix = lax.fori_loop(
            0, K, body,
            (jnp.zeros((B, KP), jnp.float32), jnp.zeros((B, KP), jnp.int32)))
        scores_ref[...] = sc
        idx_ref[...] = ix


def _tc_stage(hidden, W0, b0_2d, W1p, b1p):
    return pl.pallas_call(
        _tc_body,
        grid=(NG,),
        in_specs=[
            pl.BlockSpec((B, H), lambda j: (0, 0)),
            pl.BlockSpec((H, GB), lambda j: (0, j)),
            pl.BlockSpec((1, GB), lambda j: (0, j)),
            pl.BlockSpec((H, DP), lambda j: (0, 0)),
            pl.BlockSpec((1, DP), lambda j: (0, 0)),
        ],
        out_specs=[
            pl.BlockSpec((B, KP), lambda j: (0, 0)),
            pl.BlockSpec((B, KP), lambda j: (0, 0)),
            pl.BlockSpec((B, DP), lambda j: (0, 0)),
        ],
        out_shape=[
            jax.ShapeDtypeStruct((B, KP), jnp.float32),
            jax.ShapeDtypeStruct((B, KP), jnp.int32),
            jax.ShapeDtypeStruct((B, DP), jnp.float32),
        ],
        scratch_shapes=[pltpu.VMEM((B, G), jnp.float32)],
        compiler_params=pltpu.CompilerParams(
            dimension_semantics=("arbitrary",)),
    )(hidden, W0, b0_2d, W1p, b1p)



def _rescore_body(emb_ref, embed_ref, s_ref):
    e = emb_ref[...][:, :D].astype(jnp.bfloat16)
    blk = embed_ref[...].astype(jnp.bfloat16)
    s = lax.dot_general(e, blk, (((1,), (1,)), ((), ())),
                        preferred_element_type=jnp.float32)
    for t in range(LT):
        s_ref[:, t, :] = s[:, t * 128:(t + 1) * 128]


def _rescore_stage(emb, embed):
    return pl.pallas_call(
        _rescore_body,
        grid=(NL,),
        in_specs=[
            pl.BlockSpec((B, DP), lambda j: (0, 0)),
            pl.BlockSpec((LB, D), lambda j: (j, 0)),
        ],
        out_specs=pl.BlockSpec((B, LT, 128), lambda j: (0, j, 0)),
        out_shape=jax.ShapeDtypeStruct((B, L // 128, 128), jnp.float32),
        compiler_params=pltpu.CompilerParams(
            dimension_semantics=("arbitrary",)),
    )(emb, embed)



def _sc_body(idx_hbm, scores_hbm, gy_hbm, s_hbm, out_hbm,
             idx_v, scores_v, cand_v, ridx_v, sval_v, out_v, sem):
    wid = lax.axis_index("s") * NC + lax.axis_index("c")
    base = wid * RPW
    iota16 = lax.iota(jnp.int32, 16)

    pltpu.sync_copy(idx_hbm.at[pl.ds(base, RPW)], idx_v)
    pltpu.sync_copy(scores_hbm.at[pl.ds(base, RPW)], scores_v)

    def row_body(r, _):
        b = base + r
        pltpu.async_copy(gy_hbm.at[idx_v.at[r]], cand_v, sem).wait()

        boff = b * (L // 16)
        cvecs = []
        for kk in range(K):
            cv = plsc.load_gather(
                cand_v, [jnp.full((16,), kk, jnp.int32), iota16])
            cvecs.append(cv)
            ridx_v[kk, :] = lax.shift_right_logical(cv, 4) + boff
        copies = [
            pltpu.async_copy(s_hbm.at[ridx_v.at[kk]], sval_v.at[kk], sem)
            for kk in range(K)
        ]
        for c in copies:
            c.wait()

        for kk in range(K):
            sv = plsc.load_gather(
                sval_v, [jnp.full((16,), kk, jnp.int32), iota16,
                         jnp.bitwise_and(cvecs[kk], 15)])
            gsc = plsc.load_gather(
                scores_v, [jnp.full((16,), r, jnp.int32),
                           jnp.full((16,), kk, jnp.int32)])
            chunk = (1.0 / (1.0 + jnp.exp(-sv))) * (1.0 / (1.0 + jnp.exp(-gsc)))
            out_v[r, pl.ds(kk * GS, 16)] = chunk
        return 0

    lax.fori_loop(0, RPW, row_body, 0)
    pltpu.sync_copy(out_v, out_hbm.at[pl.ds(base, RPW)])


def _sc_stage(idx, scores, group_y, s_flat):
    mesh = plsc.VectorSubcoreMesh(core_axis_name="c", subcore_axis_name="s")
    kern = pl.kernel(
        _sc_body,
        out_type=jax.ShapeDtypeStruct((B, K * GS), jnp.float32),
        mesh=mesh,
        scratch_types=[
            pltpu.VMEM((RPW, KP), jnp.int32),
            pltpu.VMEM((RPW, KP), jnp.float32),
            pltpu.VMEM((16, GS), jnp.int32),
            pltpu.VMEM((K, 16), jnp.int32),
            pltpu.VMEM((K, 16, 16), jnp.float32),
            pltpu.VMEM((RPW, K * GS), jnp.float32),
            pltpu.SemaphoreType.DMA,
        ],
        compiler_params=pltpu.CompilerParams(needs_layout_passes=False,
                                             use_tc_tiling_on_sc=False),
    )
    return kern(idx, scores, group_y, s_flat)



@jax.jit
def kernel(hidden, W0, b0, W1, b1, embed, group_y):
    b0_2d = b0.reshape(1, G)
    W1p = jnp.pad(W1, ((0, 0), (0, DP - D)))
    b1p = jnp.pad(b1, (0, DP - D)).reshape(1, DP)
    scores, idx, emb = _tc_stage(hidden, W0, b0_2d, W1p, b1p)
    s3 = _rescore_stage(emb, embed)
    s2 = s3.reshape(B * L // 16, 16)
    return _sc_stage(idx, scores, group_y, s2)

# --- scband reference (transcript-rebuilt; emitter-appended) ---
"""Pipeline reference for scband-cratxml-33002528703070 (READ-ONLY COPY).

The authoritative reference and input builder live on the scoring server;
editing this copy changes nothing except your own understanding.
"""

import jax, jax.numpy as jnp
import numpy as np

B = 256       # batch
H = 768       # bert hidden size
G = 8192      # number of label groups (meta labels)
GS = 16       # labels per group
L = G * GS    # num_labels = 131072
D = 300       # hidden_dim (label embedding dim)
K = 10        # candidates_topk


def setup_inputs(seed: int = 0) -> dict:
    key = jax.random.key(seed)
    ks = jax.random.split(key, 6)
    # 'hidden' stands in for the BERT [CLS] representation (dropout is identity at eval)
    hidden = jax.random.normal(ks[0], (B, H), dtype=jnp.float32)
    # l0: meta (group) classifier
    W0 = (jax.random.normal(ks[1], (H, G), dtype=jnp.float32) * 0.02)
    b0 = jnp.zeros((G,), dtype=jnp.float32)
    # l1: projection to label-embedding space
    W1 = (jax.random.normal(ks[2], (H, D), dtype=jnp.float32) * 0.02)
    b1 = jnp.zeros((D,), dtype=jnp.float32)
    # label embedding table (xavier-uniform-like scale)
    embed = jax.random.normal(ks[3], (L, D), dtype=jnp.float32) * (1.0 / np.sqrt(D))
    # group_y: mapping group -> member label ids
    group_y = jax.random.randint(ks[4], (G, GS), 0, L, dtype=jnp.int32)
    return {"hidden": hidden, "W0": W0, "b0": b0, "W1": W1, "b1": b1,
            "embed": embed, "group_y": group_y}


def reference(hidden, W0, b0, W1, b1, embed, group_y):
    # meta classifier over label groups
    group_logits = hidden @ W0 + b0                       # [B, G]
    # route: pick top-k candidate groups per example
    scores, indices = jax.lax.top_k(group_logits, K)      # [B, K]
    candidates = jnp.take(group_y, indices, axis=0)       # [B, K, GS]
    candidates = candidates.reshape(hidden.shape[0], -1)  # [B, K*GS]
    # project doc representation into label-embedding space
    emb = hidden @ W1 + b1                                # [B, D]
    # gather candidate label embeddings and score by dot product
    cand_embed = jnp.take(embed, candidates, axis=0)      # [B, K*GS, D]
    logits = jnp.einsum('bd,bcd->bc', emb, cand_embed)    # [B, K*GS]
    # weight fine logits by (sigmoid of) group routing scores
    cand_scores = jnp.repeat(jax.nn.sigmoid(scores), GS, axis=1)  # [B, K*GS]
    out = jax.nn.sigmoid(logits) * cand_scores
    return out

if __name__ == "__main__":
    import jax
    _d = setup_inputs()
    print(jax.jit(kernel)(*tuple(_d.values())))

</pallas_src>

<mosaic_0001>
#map = affine_map<(d0, d1) -> (0, 0)>
module attributes {stable_mosaic.version = 14 : i64} {
  func.func @_sc_body(%arg0: i32, %arg1: i32, %arg2: memref<256x16xi32, #tpu.memory_space<hbm>>, %arg3: memref<256x16xf32, #tpu.memory_space<hbm>>, %arg4: memref<8192x16xi32, #tpu.memory_space<hbm>>, %arg5: memref<2097152x16xf32, #tpu.memory_space<hbm>>, %arg6: memref<256x160xf32, #tpu.memory_space<hbm>>, %arg7: memref<8x16xi32, #tpu.memory_space<vmem>>, %arg8: memref<8x16xf32, #tpu.memory_space<vmem>>, %arg9: memref<16x16xi32, #tpu.memory_space<vmem>>, %arg10: memref<10x16xi32, #tpu.memory_space<vmem>>, %arg11: memref<10x16x16xf32, #tpu.memory_space<vmem>>, %arg12: memref<8x160xf32, #tpu.memory_space<vmem>>, %arg13: memref<!tpu.dma_semaphore, #tpu.memory_space<semaphore_mem>>) attributes {dimension_semantics = [#tpu.dimension_semantics<core_parallel>, #tpu.dimension_semantics<subcore_parallel>], iteration_bounds = array<i64: 2, 16>, scalar_prefetch = 0 : i64, scratch_operands = 7 : i64, tpu.core_type = #tpu.core_type<sc_vector_subcore>, window_params = [{transform_indices = #map}, {transform_indices = #map}, {transform_indices = #map}, {transform_indices = #map}, {transform_indices = #map}]} {
    %mul3A = arith.constant 2 : i32
    %mul3A_0 = arith.muli %arg1, %mul3A : i32
    %add3A = arith.addi %mul3A_0, %arg0 : i32
    %mul3A_1 = arith.constant 8 : i32
    %mul3A_2 = arith.muli %add3A, %mul3A_1 : i32
    %iota3A = tpu.iota {dimensions = array<i32: 0>} : vector<16xi32>
    "tpu.region"() ({
      %run_scoped3A = tpu.sem_alloc : memref<!tpu.dma_semaphore, #tpu.memory_space<semaphore_mem>>
      %dma_start3A = arith.constant 0 : i32
      %dma_start3A_9 = tpu.memref_slice %arg2[%mul3A_2, %dma_start3A] : memref<256x16xi32, #tpu.memory_space<hbm>> -> memref<8x16xi32, #tpu.memory_space<hbm>>
      %dma_start3A_10 = arith.constant 0 : i32
      %dma_start3A_11 = tpu.memref_slice %arg2[%mul3A_2, %dma_start3A_10] : memref<256x16xi32, #tpu.memory_space<hbm>> -> memref<8x16xi32, #tpu.memory_space<hbm>>
      tpu.enqueue_dma source(%dma_start3A_11 : memref<8x16xi32, #tpu.memory_space<hbm>>) target(%arg7 : memref<8x16xi32, #tpu.memory_space<vmem>>) target_semaphore(%run_scoped3A : memref<!tpu.dma_semaphore, #tpu.memory_space<semaphore_mem>>)
      %dma_wait3A = arith.constant 0 : i32
      %dma_wait3A_12 = tpu.memref_slice %arg2[%mul3A_2, %dma_wait3A] : memref<256x16xi32, #tpu.memory_space<hbm>> -> memref<8x16xi32, #tpu.memory_space<hbm>>
      %dma_wait3A_13 = arith.constant 0 : i32
      %dma_wait3A_14 = tpu.memref_slice %arg2[%mul3A_2, %dma_wait3A_13] : memref<256x16xi32, #tpu.memory_space<hbm>> -> memref<8x16xi32, #tpu.memory_space<hbm>>
      tpu.wait_dma2 semaphore(%run_scoped3A : memref<!tpu.dma_semaphore, #tpu.memory_space<semaphore_mem>>) src(%dma_wait3A_14 : memref<8x16xi32, #tpu.memory_space<hbm>>) dst(%arg7 : memref<8x16xi32, #tpu.memory_space<vmem>>)
      tpu.yield
    }) : () -> ()
    "tpu.region"() ({
      %run_scoped3A = tpu.sem_alloc : memref<!tpu.dma_semaphore, #tpu.memory_space<semaphore_mem>>
      %dma_start3A = arith.constant 0 : i32
      %dma_start3A_9 = tpu.memref_slice %arg3[%mul3A_2, %dma_start3A] : memref<256x16xf32, #tpu.memory_space<hbm>> -> memref<8x16xf32, #tpu.memory_space<hbm>>
      %dma_start3A_10 = arith.constant 0 : i32
      %dma_start3A_11 = tpu.memref_slice %arg3[%mul3A_2, %dma_start3A_10] : memref<256x16xf32, #tpu.memory_space<hbm>> -> memref<8x16xf32, #tpu.memory_space<hbm>>
      tpu.enqueue_dma source(%dma_start3A_11 : memref<8x16xf32, #tpu.memory_space<hbm>>) target(%arg8 : memref<8x16xf32, #tpu.memory_space<vmem>>) target_semaphore(%run_scoped3A : memref<!tpu.dma_semaphore, #tpu.memory_space<semaphore_mem>>)
      %dma_wait3A = arith.constant 0 : i32
      %dma_wait3A_12 = tpu.memref_slice %arg3[%mul3A_2, %dma_wait3A] : memref<256x16xf32, #tpu.memory_space<hbm>> -> memref<8x16xf32, #tpu.memory_space<hbm>>
      %dma_wait3A_13 = arith.constant 0 : i32
      %dma_wait3A_14 = tpu.memref_slice %arg3[%mul3A_2, %dma_wait3A_13] : memref<256x16xf32, #tpu.memory_space<hbm>> -> memref<8x16xf32, #tpu.memory_space<hbm>>
      tpu.wait_dma2 semaphore(%run_scoped3A : memref<!tpu.dma_semaphore, #tpu.memory_space<semaphore_mem>>) src(%dma_wait3A_14 : memref<8x16xf32, #tpu.memory_space<hbm>>) dst(%arg8 : memref<8x16xf32, #tpu.memory_space<vmem>>)
      tpu.yield
    }) : () -> ()
    %scan3A = arith.constant 0 : i32
    %scan3A_3 = arith.constant 0 : i32
    %scan3A_4 = arith.constant 8 : i32
    %scan3A_5 = arith.addi %scan3A_3, %scan3A_4 : i32
    %scan3A_6 = arith.constant 1 : i32
    %scan3A_7 = scf.for %scan3A_9 = %scan3A_3 to %scan3A_5 step %scan3A_6 iter_args(%scan3A_10 = %scan3A) -> (i32)  : i32 {
      %add3A_11 = arith.addi %mul3A_2, %scan3A_9 : i32
      %dma_start3A = arith.constant 0 : i32
      %dma_start3A_12 = tpu.memref_slice %arg7[%scan3A_9, %dma_start3A] : memref<8x16xi32, #tpu.memory_space<vmem>> -> memref<1x16xi32, #tpu.memory_space<vmem>>
      %dma_start3A_13 = tpu.memref_squeeze %dma_start3A_12 : memref<1x16xi32, #tpu.memory_space<vmem>> -> memref<16xi32, #tpu.memory_space<vmem>>
      %dma_start3A_14 = arith.constant 0 : i32
      %dma_start3A_15 = arith.constant 0 : i32
      %dma_start3A_16 = tpu.memref_slice %arg4[%dma_start3A_14, %dma_start3A_15] : memref<8192x16xi32, #tpu.memory_space<hbm>> -> memref<8192x16xi32, #tpu.memory_space<hbm>>
      tpu.enqueue_indirect_dma source(%dma_start3A_16 : memref<8192x16xi32, #tpu.memory_space<hbm>>) target(%arg9 : memref<16x16xi32, #tpu.memory_space<vmem>>) offsets(%dma_start3A_13 : memref<16xi32, #tpu.memory_space<vmem>>) semaphore(%arg13 : memref<!tpu.dma_semaphore, #tpu.memory_space<semaphore_mem>>)
      %dma_wait3A = arith.constant 0 : i32
      %dma_wait3A_17 = tpu.memref_slice %arg7[%scan3A_9, %dma_wait3A] : memref<8x16xi32, #tpu.memory_space<vmem>> -> memref<1x16xi32, #tpu.memory_space<vmem>>
      %dma_wait3A_18 = tpu.memref_squeeze %dma_wait3A_17 : memref<1x16xi32, #tpu.memory_space<vmem>> -> memref<16xi32, #tpu.memory_space<vmem>>
      %dma_wait3A_19 = arith.constant 0 : i32
      %dma_wait3A_20 = arith.constant 0 : i32
      %dma_wait3A_21 = tpu.memref_slice %arg4[%dma_wait3A_19, %dma_wait3A_20] : memref<8192x16xi32, #tpu.memory_space<hbm>> -> memref<8192x16xi32, #tpu.memory_space<hbm>>
      tpu.wait_indirect_dma semaphore(%arg13 : memref<!tpu.dma_semaphore, #tpu.memory_space<semaphore_mem>>) src(%dma_wait3A_21 : memref<8192x16xi32, #tpu.memory_space<hbm>>) dst(%arg9 : memref<16x16xi32, #tpu.memory_space<vmem>>)
      %mul3A_22 = arith.constant 8192 : i32
      %mul3A_23 = arith.muli %add3A_11, %mul3A_22 : i32
      %broadcast_in_dim3A = arith.constant 0 : i32
      %broadcast_in_dim3A_24 = vector.broadcast %broadcast_in_dim3A : i32 to vector<16xi32>
      %gather3A = tpu.vector_load_idx %arg9[%broadcast_in_dim3A_24, %iota3A] : memref<16x16xi32, #tpu.memory_space<vmem>>[vector<16xi32>, vector<16xi32>], vector<16xi32>,
      %shift_right_logical3A = arith.constant 4 : i32
      %shift_right_logical3A_25 = vector.broadcast %shift_right_logical3A : i32 to vector<16xi32>
      %shift_right_logical3A_26 = arith.shrui %gather3A, %shift_right_logical3A_25 : vector<16xi32>
      %add3A_27 = vector.broadcast %mul3A_23 : i32 to vector<16xi32>
      %add3A_28 = arith.addi %shift_right_logical3A_26, %add3A_27 : vector<16xi32>
      %swap3A = arith.constant 0 : i32
      %swap3A_29 = arith.index_cast %swap3A : i32 to index
      %swap3A_30 = arith.constant 0 : index
      %swap3A_31 = tpu.vector_load %arg10[%swap3A_29, %swap3A_30] {strides = array<i32>} : memref<10x16xi32, #tpu.memory_space<vmem>>, vector<16xi32>,
      tpu.vector_store %arg10[%swap3A_29, %swap3A_30], %add3A_28 {strides = array<i32>} : memref<10x16xi32, #tpu.memory_space<vmem>>, vector<16xi32>,
      %broadcast_in_dim3A_32 = arith.constant 1 : i32
      %broadcast_in_dim3A_33 = vector.broadcast %broadcast_in_dim3A_32 : i32 to vector<16xi32>
      %gather3A_34 = tpu.vector_load_idx %arg9[%broadcast_in_dim3A_33, %iota3A] : memref<16x16xi32, #tpu.memory_space<vmem>>[vector<16xi32>, vector<16xi32>], vector<16xi32>,
      %shift_right_logical3A_35 = arith.constant 4 : i32
      %shift_right_logical3A_36 = vector.broadcast %shift_right_logical3A_35 : i32 to vector<16xi32>
      %shift_right_logical3A_37 = arith.shrui %gather3A_34, %shift_right_logical3A_36 : vector<16xi32>
      %add3A_38 = vector.broadcast %mul3A_23 : i32 to vector<16xi32>
      %add3A_39 = arith.addi %shift_right_logical3A_37, %add3A_38 : vector<16xi32>
      %swap3A_40 = arith.constant 1 : i32
      %swap3A_41 = arith.index_cast %swap3A_40 : i32 to index
      %swap3A_42 = arith.constant 0 : index
      %swap3A_43 = tpu.vector_load %arg10[%swap3A_41, %swap3A_42] {strides = array<i32>} : memref<10x16xi32, #tpu.memory_space<vmem>>, vector<16xi32>,
      tpu.vector_store %arg10[%swap3A_41, %swap3A_42], %add3A_39 {strides = array<i32>} : memref<10x16xi32, #tpu.memory_space<vmem>>, vector<16xi32>,
      %broadcast_in_dim3A_44 = arith.constant 2 : i32
      %broadcast_in_dim3A_45 = vector.broadcast %broadcast_in_dim3A_44 : i32 to vector<16xi32>
      %gather3A_46 = tpu.vector_load_idx %arg9[%broadcast_in_dim3A_45, %iota3A] : memref<16x16xi32, #tpu.memory_space<vmem>>[vector<16xi32>, vector<16xi32>], vector<16xi32>,
      %shift_right_logical3A_47 = arith.constant 4 : i32
      %shift_right_logical3A_48 = vector.broadcast %shift_right_logical3A_47 : i32 to vector<16xi32>
      %shift_right_logical3A_49 = arith.shrui %gather3A_46, %shift_right_logical3A_48 : vector<16xi32>
      %add3A_50 = vector.broadcast %mul3A_23 : i32 to vector<16xi32>
      %add3A_51 = arith.addi %shift_right_logical3A_49, %add3A_50 : vector<16xi32>
      %swap3A_52 = arith.constant 2 : i32
      %swap3A_53 = arith.index_cast %swap3A_52 : i32 to index
      %swap3A_54 = arith.constant 0 : index
      %swap3A_55 = tpu.vector_load %arg10[%swap3A_53, %swap3A_54] {strides = array<i32>} : memref<10x16xi32, #tpu.memory_space<vmem>>, vector<16xi32>,
      tpu.vector_store %arg10[%swap3A_53, %swap3A_54], %add3A_51 {strides = array<i32>} : memref<10x16xi32, #tpu.memory_space<vmem>>, vector<16xi32>,
      %broadcast_in_dim3A_56 = arith.constant 3 : i32
      %broadcast_in_dim3A_57 = vector.broadcast %broadcast_in_dim3A_56 : i32 to vector<16xi32>
      %gather3A_58 = tpu.vector_load_idx %arg9[%broadcast_in_dim3A_57, %iota3A] : memref<16x16xi32, #tpu.memory_space<vmem>>[vector<16xi32>, vector<16xi32>], vector<16xi32>,
      %shift_right_logical3A_59 = arith.constant 4 : i32
      %shift_right_logical3A_60 = vector.broadcast %shift_right_logical3A_59 : i32 to vector<16xi32>
      %shift_right_logical3A_61 = arith.shrui %gather3A_58, %shift_right_logical3A_60 : vector<16xi32>
      %add3A_62 = vector.broadcast %mul3A_23 : i32 to vector<16xi32>
      %add3A_63 = arith.addi %shift_right_logical3A_61, %add3A_62 : vector<16xi32>
      %swap3A_64 = arith.constant 3 : i32
      %swap3A_65 = arith.index_cast %swap3A_64 : i32 to index
      %swap3A_66 = arith.constant 0 : index
      %swap3A_67 = tpu.vector_load %arg10[%swap3A_65, %swap3A_66] {strides = array<i32>} : memref<10x16xi32, #tpu.memory_space<vmem>>, vector<16xi32>,
      tpu.vector_store %arg10[%swap3A_65, %swap3A_66], %add3A_63 {strides = array<i32>} : memref<10x16xi32, #tpu.memory_space<vmem>>, vector<16xi32>,
      %broadcast_in_dim3A_68 = arith.constant 4 : i32
      %broadcast_in_dim3A_69 = vector.broadcast %broadcast_in_dim3A_68 : i32 to vector<16xi32>
      %gather3A_70 = tpu.vector_load_idx %arg9[%broadcast_in_dim3A_69, %iota3A] : memref<16x16xi32, #tpu.memory_space<vmem>>[vector<16xi32>, vector<16xi32>], vector<16xi32>,
      %shift_right_logical3A_71 = arith.constant 4 : i32
      %shift_right_logical3A_72 = vector.broadcast %shift_right_logical3A_71 : i32 to vector<16xi32>
      %shift_right_logical3A_73 = arith.shrui %gather3A_70, %shift_right_logical3A_72 : vector<16xi32>
      %add3A_74 = vector.broadcast %mul3A_23 : i32 to vector<16xi32>
      %add3A_75 = arith.addi %shift_right_logical3A_73, %add3A_74 : vector<16xi32>
      %swap3A_76 = arith.constant 4 : i32
      %swap3A_77 = arith.index_cast %swap3A_76 : i32 to index
      %swap3A_78 = arith.constant 0 : index
      %swap3A_79 = tpu.vector_load %arg10[%swap3A_77, %swap3A_78] {strides = array<i32>} : memref<10x16xi32, #tpu.memory_space<vmem>>, vector<16xi32>,
      tpu.vector_store %arg10[%swap3A_77, %swap3A_78], %add3A_75 {strides = array<i32>} : memref<10x16xi32, #tpu.memory_space<vmem>>, vector<16xi32>,
      %broadcast_in_dim3A_80 = arith.constant 5 : i32
      %broadcast_in_dim3A_81 = vector.broadcast %broadcast_in_dim3A_80 : i32 to vector<16xi32>
      %gather3A_82 = tpu.vector_load_idx %arg9[%broadcast_in_dim3A_81, %iota3A] : memref<16x16xi32, #tpu.memory_space<vmem>>[vector<16xi32>, vector<16xi32>], vector<16xi32>,
      %shift_right_logical3A_83 = arith.constant 4 : i32
      %shift_right_logical3A_84 = vector.broadcast %shift_right_logical3A_83 : i32 to vector<16xi32>
      %shift_right_logical3A_85 = arith.shrui %gather3A_82, %shift_right_logical3A_84 : vector<16xi32>
      %add3A_86 = vector.broadcast %mul3A_23 : i32 to vector<16xi32>
      %add3A_87 = arith.addi %shift_right_logical3A_85, %add3A_86 : vector<16xi32>
      %swap3A_88 = arith.constant 5 : i32
      %swap3A_89 = arith.index_cast %swap3A_88 : i32 to index
      %swap3A_90 = arith.constant 0 : index
      %swap3A_91 = tpu.vector_load %arg10[%swap3A_89, %swap3A_90] {strides = array<i32>} : memref<10x16xi32, #tpu.memory_space<vmem>>, vector<16xi32>,
      tpu.vector_store %arg10[%swap3A_89, %swap3A_90], %add3A_87 {strides = array<i32>} : memref<10x16xi32, #tpu.memory_space<vmem>>, vector<16xi32>,
      %broadcast_in_dim3A_92 = arith.constant 6 : i32
      %broadcast_in_dim3A_93 = vector.broadcast %broadcast_in_dim3A_92 : i32 to vector<16xi32>
      %gather3A_94 = tpu.vector_load_idx %arg9[%broadcast_in_dim3A_93, %iota3A] : memref<16x16xi32, #tpu.memory_space<vmem>>[vector<16xi32>, vector<16xi32>], vector<16xi32>,
      %shift_right_logical3A_95 = arith.constant 4 : i32
      %shift_right_logical3A_96 = vector.broadcast %shift_right_logical3A_95 : i32 to vector<16xi32>
      %shift_right_logical3A_97 = arith.shrui %gather3A_94, %shift_right_logical3A_96 : vector<16xi32>
      %add3A_98 = vector.broadcast %mul3A_23 : i32 to vector<16xi32>
      %add3A_99 = arith.addi %shift_right_logical3A_97, %add3A_98 : vector<16xi32>
      %swap3A_100 = arith.constant 6 : i32
      %swap3A_101 = arith.index_cast %swap3A_100 : i32 to index
      %swap3A_102 = arith.constant 0 : index
      %swap3A_103 = tpu.vector_load %arg10[%swap3A_101, %swap3A_102] {strides = array<i32>} : memref<10x16xi32, #tpu.memory_space<vmem>>, vector<16xi32>,
      tpu.vector_store %arg10[%swap3A_101, %swap3A_102], %add3A_99 {strides = array<i32>} : memref<10x16xi32, #tpu.memory_space<vmem>>, vector<16xi32>,
      %broadcast_in_dim3A_104 = arith.constant 7 : i32
      %broadcast_in_dim3A_105 = vector.broadcast %broadcast_in_dim3A_104 : i32 to vector<16xi32>
      %gather3A_106 = tpu.vector_load_idx %arg9[%broadcast_in_dim3A_105, %iota3A] : memref<16x16xi32, #tpu.memory_space<vmem>>[vector<16xi32>, vector<16xi32>], vector<16xi32>,
      %shift_right_logical3A_107 = arith.constant 4 : i32
      %shift_right_logical3A_108 = vector.broadcast %shift_right_logical3A_107 : i32 to vector<16xi32>
      %shift_right_logical3A_109 = arith.shrui %gather3A_106, %shift_right_logical3A_108 : vector<16xi32>
      %add3A_110 = vector.broadcast %mul3A_23 : i32 to vector<16xi32>
      %add3A_111 = arith.addi %shift_right_logical3A_109, %add3A_110 : vector<16xi32>
      %swap3A_112 = arith.constant 7 : i32
      %swap3A_113 = arith.index_cast %swap3A_112 : i32 to index
      %swap3A_114 = arith.constant 0 : index
      %swap3A_115 = tpu.vector_load %arg10[%swap3A_113, %swap3A_114] {strides = array<i32>} : memref<10x16xi32, #tpu.memory_space<vmem>>, vector<16xi32>,
      tpu.vector_store %arg10[%swap3A_113, %swap3A_114], %add3A_111 {strides = array<i32>} : memref<10x16xi32, #tpu.memory_space<vmem>>, vector<16xi32>,
      %broadcast_in_dim3A_116 = arith.constant 8 : i32
      %broadcast_in_dim3A_117 = vector.broadcast %broadcast_in_dim3A_116 : i32 to vector<16xi32>
      %gather3A_118 = tpu.vector_load_idx %arg9[%broadcast_in_dim3A_117, %iota3A] : memref<16x16xi32, #tpu.memory_space<vmem>>[vector<16xi32>, vector<16xi32>], vector<16xi32>,
      %shift_right_logical3A_119 = arith.constant 4 : i32
      %shift_right_logical3A_120 = vector.broadcast %shift_right_logical3A_119 : i32 to vector<16xi32>
      %shift_right_logical3A_121 = arith.shrui %gather3A_118, %shift_right_logical3A_120 : vector<16xi32>
      %add3A_122 = vector.broadcast %mul3A_23 : i32 to vector<16xi32>
      %add3A_123 = arith.addi %shift_right_logical3A_121, %add3A_122 : vector<16xi32>
      %swap3A_124 = arith.constant 8 : i32
      %swap3A_125 = arith.index_cast %swap3A_124 : i32 to index
      %swap3A_126 = arith.constant 0 : index
      %swap3A_127 = tpu.vector_load %arg10[%swap3A_125, %swap3A_126] {strides = array<i32>} : memref<10x16xi32, #tpu.memory_space<vmem>>, vector<16xi32>,
      tpu.vector_store %arg10[%swap3A_125, %swap3A_126], %add3A_123 {strides = array<i32>} : memref<10x16xi32, #tpu.memory_space<vmem>>, vector<16xi32>,
      %broadcast_in_dim3A_128 = arith.constant 9 : i32
      %broadcast_in_dim3A_129 = vector.broadcast %broadcast_in_dim3A_128 : i32 to vector<16xi32>
      %gather3A_130 = tpu.vector_load_idx %arg9[%broadcast_in_dim3A_129, %iota3A] : memref<16x16xi32, #tpu.memory_space<vmem>>[vector<16xi32>, vector<16xi32>], vector<16xi32>,
      %shift_right_logical3A_131 = arith.constant 4 : i32
      %shift_right_logical3A_132 = vector.broadcast %shift_right_logical3A_131 : i32 to vector<16xi32>
      %shift_right_logical3A_133 = arith.shrui %gather3A_130, %shift_right_logical3A_132 : vector<16xi32>
      %add3A_134 = vector.broadcast %mul3A_23 : i32 to vector<16xi32>
      %add3A_135 = arith.addi %shift_right_logical3A_133, %add3A_134 : vector<16xi32>
      %swap3A_136 = arith.constant 9 : i32
      %swap3A_137 = arith.index_cast %swap3A_136 : i32 to index
      %swap3A_138 = arith.constant 0 : index
      %swap3A_139 = tpu.vector_load %arg10[%swap3A_137, %swap3A_138] {strides = array<i32>} : memref<10x16xi32, #tpu.memory_space<vmem>>, vector<16xi32>,
      tpu.vector_store %arg10[%swap3A_137, %swap3A_138], %add3A_135 {strides = array<i32>} : memref<10x16xi32, #tpu.memory_space<vmem>>, vector<16xi32>,
      %dma_start3A_140 = arith.constant 0 : i32
      %dma_start3A_141 = arith.constant 0 : i32
      %dma_start3A_142 = arith.constant 0 : i32
      %dma_start3A_143 = arith.constant 0 : i32
      %dma_start3A_144 = tpu.memref_slice %arg11[%dma_start3A_141, %dma_start3A_142, %dma_start3A_143] : memref<10x16x16xf32, #tpu.memory_space<vmem>> -> memref<1x16x16xf32, #tpu.memory_space<vmem>>
      %dma_start3A_145 = tpu.memref_squeeze %dma_start3A_144 : memref<1x16x16xf32, #tpu.memory_space<vmem>> -> memref<16x16xf32, #tpu.memory_space<vmem>>
      %dma_start3A_146 = arith.constant 0 : i32
      %dma_start3A_147 = tpu.memref_slice %arg10[%dma_start3A_140, %dma_start3A_146] : memref<10x16xi32, #tpu.memory_space<vmem>> -> memref<1x16xi32, #tpu.memory_space<vmem>>
      %dma_start3A_148 = tpu.memref_squeeze %dma_start3A_147 : memref<1x16xi32, #tpu.memory_space<vmem>> -> memref<16xi32, #tpu.memory_space<vmem>>
      %dma_start3A_149 = arith.constant 0 : i32
      %dma_start3A_150 = arith.constant 0 : i32
      %dma_start3A_151 = tpu.memref_slice %arg5[%dma_start3A_149, %dma_start3A_150] : memref<2097152x16xf32, #tpu.memory_space<hbm>> -> memref<2097152x16xf32, #tpu.memory_space<hbm>>
      tpu.enqueue_indirect_dma source(%dma_start3A_151 : memref<2097152x16xf32, #tpu.memory_space<hbm>>) target(%dma_start3A_145 : memref<16x16xf32, #tpu.memory_space<vmem>>) offsets(%dma_start3A_148 : memref<16xi32, #tpu.memory_space<vmem>>) semaphore(%arg13 : memref<!tpu.dma_semaphore, #tpu.memory_space<semaphore_mem>>)
      %dma_start3A_152 = arith.constant 1 : i32
      %dma_start3A_153 = arith.constant 1 : i32
      %dma_start3A_154 = arith.constant 0 : i32
      %dma_start3A_155 = arith.constant 0 : i32
      %dma_start3A_156 = tpu.memref_slice %arg11[%dma_start3A_153, %dma_start3A_154, %dma_start3A_155] : memref<10x16x16xf32, #tpu.memory_space<vmem>> -> memref<1x16x16xf32, #tpu.memory_space<vmem>>
      %dma_start3A_157 = tpu.memref_squeeze %dma_start3A_156 : memref<1x16x16xf32, #tpu.memory_space<vmem>> -> memref<16x16xf32, #tpu.memory_space<vmem>>
      %dma_start3A_158 = arith.constant 0 : i32
      %dma_start3A_159 = tpu.memref_slice %arg10[%dma_start3A_152, %dma_start3A_158] : memref<10x16xi32, #tpu.memory_space<vmem>> -> memref<1x16xi32, #tpu.memory_space<vmem>>
      %dma_start3A_160 = tpu.memref_squeeze %dma_start3A_159 : memref<1x16xi32, #tpu.memory_space<vmem>> -> memref<16xi32, #tpu.memory_space<vmem>>
      %dma_start3A_161 = arith.constant 0 : i32
      %dma_start3A_162 = arith.constant 0 : i32
      %dma_start3A_163 = tpu.memref_slice %arg5[%dma_start3A_161, %dma_start3A_162] : memref<2097152x16xf32, #tpu.memory_space<hbm>> -> memref<2097152x16xf32, #tpu.memory_space<hbm>>
      tpu.enqueue_indirect_dma source(%dma_start3A_163 : memref<2097152x16xf32, #tpu.memory_space<hbm>>) target(%dma_start3A_157 : memref<16x16xf32, #tpu.memory_space<vmem>>) offsets(%dma_start3A_160 : memref<16xi32, #tpu.memory_space<vmem>>) semaphore(%arg13 : memref<!tpu.dma_semaphore, #tpu.memory_space<semaphore_mem>>)
      %dma_start3A_164 = arith.constant 2 : i32
      %dma_start3A_165 = arith.constant 2 : i32
      %dma_start3A_166 = arith.constant 0 : i32
      %dma_start3A_167 = arith.constant 0 : i32
      %dma_start3A_168 = tpu.memref_slice %arg11[%dma_start3A_165, %dma_start3A_166, %dma_start3A_167] : memref<10x16x16xf32, #tpu.memory_space<vmem>> -> memref<1x16x16xf32, #tpu.memory_space<vmem>>
      %dma_start3A_169 = tpu.memref_squeeze %dma_start3A_168 : memref<1x16x16xf32, #tpu.memory_space<vmem>> -> memref<16x16xf32, #tpu.memory_space<vmem>>
      %dma_start3A_170 = arith.constant 0 : i32
      %dma_start3A_171 = tpu.memref_slice %arg10[%dma_start3A_164, %dma_start3A_170] : memref<10x16xi32, #tpu.memory_space<vmem>> -> memref<1x16xi32, #tpu.memory_space<vmem>>
      %dma_start3A_172 = tpu.memref_squeeze %dma_start3A_171 : memref<1x16xi32, #tpu.memory_space<vmem>> -> memref<16xi32, #tpu.memory_space<vmem>>
      %dma_start3A_173 = arith.constant 0 : i32
      %dma_start3A_174 = arith.constant 0 : i32
      %dma_start3A_175 = tpu.memref_slice %arg5[%dma_start3A_173, %dma_start3A_174] : memref<2097152x16xf32, #tpu.memory_space<hbm>> -> memref<2097152x16xf32, #tpu.memory_space<hbm>>
      tpu.enqueue_indirect_dma source(%dma_start3A_175 : memref<2097152x16xf32, #tpu.memory_space<hbm>>) target(%dma_start3A_169 : memref<16x16xf32, #tpu.memory_space<vmem>>) offsets(%dma_start3A_172 : memref<16xi32, #tpu.memory_space<vmem>>) semaphore(%arg13 : memref<!tpu.dma_semaphore, #tpu.memory_space<semaphore_mem>>)
      %dma_start3A_176 = arith.constant 3 : i32
      %dma_start3A_177 = arith.constant 3 : i32
      %dma_start3A_178 = arith.constant 0 : i32
      %dma_start3A_179 = arith.constant 0 : i32
      %dma_start3A_180 = tpu.memref_slice %arg11[%dma_start3A_177, %dma_start3A_178, %dma_start3A_179] : memref<10x16x16xf32, #tpu.memory_space<vmem>> -> memref<1x16x16xf32, #tpu.memory_space<vmem>>
      %dma_start3A_181 = tpu.memref_squeeze %dma_start3A_180 : memref<1x16x16xf32, #tpu.memory_space<vmem>> -> memref<16x16xf32, #tpu.memory_space<vmem>>
      %dma_start3A_182 = arith.constant 0 : i32
      %dma_start3A_183 = tpu.memref_slice %arg10[%dma_start3A_176, %dma_start3A_182] : memref<10x16xi32, #tpu.memory_space<vmem>> -> memref<1x16xi32, #tpu.memory_space<vmem>>
      %dma_start3A_184 = tpu.memref_squeeze %dma_start3A_183 : memref<1x16xi32, #tpu.memory_space<vmem>> -> memref<16xi32, #tpu.memory_space<vmem>>
      %dma_start3A_185 = arith.constant 0 : i32
      %dma_start3A_186 = arith.constant 0 : i32
      %dma_start3A_187 = tpu.memref_slice %arg5[%dma_start3A_185, %dma_start3A_186] : memref<2097152x16xf32, #tpu.memory_space<hbm>> -> memref<2097152x16xf32, #tpu.memory_space<hbm>>
      tpu.enqueue_indirect_dma source(%dma_start3A_187 : memref<2097152x16xf32, #tpu.memory_space<hbm>>) target(%dma_start3A_181 : memref<16x16xf32, #tpu.memory_space<vmem>>) offsets(%dma_start3A_184 : memref<16xi32, #tpu.memory_space<vmem>>) semaphore(%arg13 : memref<!tpu.dma_semaphore, #tpu.memory_space<semaphore_mem>>)
      %dma_start3A_188 = arith.constant 4 : i32
      %dma_start3A_189 = arith.constant 4 : i32
      %dma_start3A_190 = arith.constant 0 : i32
      %dma_start3A_191 = arith.constant 0 : i32
      %dma_start3A_192 = tpu.memref_slice %arg11[%dma_start3A_189, %dma_start3A_190, %dma_start3A_191] : memref<10x16x16xf32, #tpu.memory_space<vmem>> -> memref<1x16x16xf32, #tpu.memory_space<vmem>>
      %dma_start3A_193 = tpu.memref_squeeze %dma_start3A_192 : memref<1x16x16xf32, #tpu.memory_space<vmem>> -> memref<16x16xf32, #tpu.memory_space<vmem>>
      %dma_start3A_194 = arith.constant 0 : i32
      %dma_start3A_195 = tpu.memref_slice %arg10[%dma_start3A_188, %dma_start3A_194] : memref<10x16xi32, #tpu.memory_space<vmem>> -> memref<1x16xi32, #tpu.memory_space<vmem>>
      %dma_start3A_196 = tpu.memref_squeeze %dma_start3A_195 : memref<1x16xi32, #tpu.memory_space<vmem>> -> memref<16xi32, #tpu.memory_space<vmem>>
      %dma_start3A_197 = arith.constant 0 : i32
      %dma_start3A_198 = arith.constant 0 : i32
      %dma_start3A_199 = tpu.memref_slice %arg5[%dma_start3A_197, %dma_start3A_198] : memref<2097152x16xf32, #tpu.memory_space<hbm>> -> memref<2097152x16xf32, #tpu.memory_space<hbm>>
      tpu.enqueue_indirect_dma source(%dma_start3A_199 : memref<2097152x16xf32, #tpu.memory_space<hbm>>) target(%dma_start3A_193 : memref<16x16xf32, #tpu.memory_space<vmem>>) offsets(%dma_start3A_196 : memref<16xi32, #tpu.memory_space<vmem>>) semaphore(%arg13 : memref<!tpu.dma_semaphore, #tpu.memory_space<semaphore_mem>>)
      %dma_start3A_200 = arith.constant 5 : i32
      %dma_start3A_201 = arith.constant 5 : i32
      %dma_start3A_202 = arith.constant 0 : i32
      %dma_start3A_203 = arith.constant 0 : i32
      %dma_start3A_204 = tpu.memref_slice %arg11[%dma_start3A_201, %dma_start3A_202, %dma_start3A_203] : memref<10x16x16xf32, #tpu.memory_space<vmem>> -> memref<1x16x16xf32, #tpu.memory_space<vmem>>
      %dma_start3A_205 = tpu.memref_squeeze %dma_start3A_204 : memref<1x16x16xf32, #tpu.memory_space<vmem>> -> memref<16x16xf32, #tpu.memory_space<vmem>>
      %dma_start3A_206 = arith.constant 0 : i32
      %dma_start3A_207 = tpu.memref_slice %arg10[%dma_start3A_200, %dma_start3A_206] : memref<10x16xi32, #tpu.memory_space<vmem>> -> memref<1x16xi32, #tpu.memory_space<vmem>>
      %dma_start3A_208 = tpu.memref_squeeze %dma_start3A_207 : memref<1x16xi32, #tpu.memory_space<vmem>> -> memref<16xi32, #tpu.memory_space<vmem>>
      %dma_start3A_209 = arith.constant 0 : i32
      %dma_start3A_210 = arith.constant 0 : i32
      %dma_start3A_211 = tpu.memref_slice %arg5[%dma_start3A_209, %dma_start3A_210] : memref<2097152x16xf32, #tpu.memory_space<hbm>> -> memref<2097152x16xf32, #tpu.memory_space<hbm>>
      tpu.enqueue_indirect_dma source(%dma_start3A_211 : memref<2097152x16xf32, #tpu.memory_space<hbm>>) target(%dma_start3A_205 : memref<16x16xf32, #tpu.memory_space<vmem>>) offsets(%dma_start3A_208 : memref<16xi32, #tpu.memory_space<vmem>>) semaphore(%arg13 : memref<!tpu.dma_semaphore, #tpu.memory_space<semaphore_mem>>)
      %dma_start3A_212 = arith.constant 6 : i32
      %dma_start3A_213 = arith.constant 6 : i32
      %dma_start3A_214 = arith.constant 0 : i32
      %dma_start3A_215 = arith.constant 0 : i32
      %dma_start3A_216 = tpu.memref_slice %arg11[%dma_start3A_213, %dma_start3A_214, %dma_start3A_215] : memref<10x16x16xf32, #tpu.memory_space<vmem>> -> memref<1x16x16xf32, #tpu.memory_space<vmem>>
      %dma_start3A_217 = tpu.memref_squeeze %dma_start3A_216 : memref<1x16x16xf32, #tpu.memory_space<vmem>> -> memref<16x16xf32, #tpu.memory_space<vmem>>
      %dma_start3A_218 = arith.constant 0 : i32
      %dma_start3A_219 = tpu.memref_slice %arg10[%dma_start3A_212, %dma_start3A_218] : memref<10x16xi32, #tpu.memory_space<vmem>> -> memref<1x16xi32, #tpu.memory_space<vmem>>
      %dma_start3A_220 = tpu.memref_squeeze %dma_start3A_219 : memref<1x16xi32, #tpu.memory_space<vmem>> -> memref<16xi32, #tpu.memory_space<vmem>>
      %dma_start3A_221 = arith.constant 0 : i32
      %dma_start3A_222 = arith.constant 0 : i32
      %dma_start3A_223 = tpu.memref_slice %arg5[%dma_start3A_221, %dma_start3A_222] : memref<2097152x16xf32, #tpu.memory_space<hbm>> -> memref<2097152x16xf32, #tpu.memory_space<hbm>>
      tpu.enqueue_indirect_dma source(%dma_start3A_223 : memref<2097152x16xf32, #tpu.memory_space<hbm>>) target(%dma_start3A_217 : memref<16x16xf32, #tpu.memory_space<vmem>>) offsets(%dma_start3A_220 : memref<16xi32, #tpu.memory_space<vmem>>) semaphore(%arg13 : memref<!tpu.dma_semaphore, #tpu.memory_space<semaphore_mem>>)
      %dma_start3A_224 = arith.constant 7 : i32
      %dma_start3A_225 = arith.constant 7 : i32
      %dma_start3A_226 = arith.constant 0 : i32
      %dma_start3A_227 = arith.constant 0 : i32
      %dma_start3A_228 = tpu.memref_slice %arg11[%dma_start3A_225, %dma_start3A_226, %dma_start3A_227] : memref<10x16x16xf32, #tpu.memory_space<vmem>> -> memref<1x16x16xf32, #tpu.memory_space<vmem>>
      %dma_start3A_229 = tpu.memref_squeeze %dma_start3A_228 : memref<1x16x16xf32, #tpu.memory_space<vmem>> -> memref<16x16xf32, #tpu.memory_space<vmem>>
      %dma_start3A_230 = arith.constant 0 : i32
      %dma_start3A_231 = tpu.memref_slice %arg10[%dma_start3A_224, %dma_start3A_230] : memref<10x16xi32, #tpu.memory_space<vmem>> -> memref<1x16xi32, #tpu.memory_space<vmem>>
      %dma_start3A_232 = tpu.memref_squeeze %dma_start3A_231 : memref<1x16xi32, #tpu.memory_space<vmem>> -> memref<16xi32, #tpu.memory_space<vmem>>
      %dma_start3A_233 = arith.constant 0 : i32
      %dma_start3A_234 = arith.constant 0 : i32
      %dma_start3A_235 = tpu.memref_slice %arg5[%dma_start3A_233, %dma_start3A_234] : memref<2097152x16xf32, #tpu.memory_space<hbm>> -> memref<2097152x16xf32, #tpu.memory_space<hbm>>
      tpu.enqueue_indirect_dma source(%dma_start3A_235 : memref<2097152x16xf32, #tpu.memory_space<hbm>>) target(%dma_start3A_229 : memref<16x16xf32, #tpu.memory_space<vmem>>) offsets(%dma_start3A_232 : memref<16xi32, #tpu.memory_space<vmem>>) semaphore(%arg13 : memref<!tpu.dma_semaphore, #tpu.memory_space<semaphore_mem>>)
      %dma_start3A_236 = arith.constant 8 : i32
      %dma_start3A_237 = arith.constant 8 : i32
      %dma_start3A_238 = arith.constant 0 : i32
      %dma_start3A_239 = arith.constant 0 : i32
      %dma_start3A_240 = tpu.memref_slice %arg11[%dma_start3A_237, %dma_start3A_238, %dma_start3A_239] : memref<10x16x16xf32, #tpu.memory_space<vmem>> -> memref<1x16x16xf32, #tpu.memory_space<vmem>>
      %dma_start3A_241 = tpu.memref_squeeze %dma_start3A_240 : memref<1x16x16xf32, #tpu.memory_space<vmem>> -> memref<16x16xf32, #tpu.memory_space<vmem>>
      %dma_start3A_242 = arith.constant 0 : i32
      %dma_start3A_243 = tpu.memref_slice %arg10[%dma_start3A_236, %dma_start3A_242] : memref<10x16xi32, #tpu.memory_space<vmem>> -> memref<1x16xi32, #tpu.memory_space<vmem>>
      %dma_start3A_244 = tpu.memref_squeeze %dma_start3A_243 : memref<1x16xi32, #tpu.memory_space<vmem>> -> memref<16xi32, #tpu.memory_space<vmem>>
      %dma_start3A_245 = arith.constant 0 : i32
      %dma_start3A_246 = arith.constant 0 : i32
      %dma_start3A_247 = tpu.memref_slice %arg5[%dma_start3A_245, %dma_start3A_246] : memref<2097152x16xf32, #tpu.memory_space<hbm>> -> memref<2097152x16xf32, #tpu.memory_space<hbm>>
      tpu.enqueue_indirect_dma source(%dma_start3A_247 : memref<2097152x16xf32, #tpu.memory_space<hbm>>) target(%dma_start3A_241 : memref<16x16xf32, #tpu.memory_space<vmem>>) offsets(%dma_start3A_244 : memref<16xi32, #tpu.memory_space<vmem>>) semaphore(%arg13 : memref<!tpu.dma_semaphore, #tpu.memory_space<semaphore_mem>>)
      %dma_start3A_248 = arith.constant 9 : i32
      %dma_start3A_249 = arith.constant 9 : i32
      %dma_start3A_250 = arith.constant 0 : i32
      %dma_start3A_251 = arith.constant 0 : i32
      %dma_start3A_252 = tpu.memref_slice %arg11[%dma_start3A_249, %dma_start3A_250, %dma_start3A_251] : memref<10x16x16xf32, #tpu.memory_space<vmem>> -> memref<1x16x16xf32, #tpu.memory_space<vmem>>
      %dma_start3A_253 = tpu.memref_squeeze %dma_start3A_252 : memref<1x16x16xf32, #tpu.memory_space<vmem>> -> memref<16x16xf32, #tpu.memory_space<vmem>>
      %dma_start3A_254 = arith.constant 0 : i32
      %dma_start3A_255 = tpu.memref_slice %arg10[%dma_start3A_248, %dma_start3A_254] : memref<10x16xi32, #tpu.memory_space<vmem>> -> memref<1x16xi32, #tpu.memory_space<vmem>>
      %dma_start3A_256 = tpu.memref_squeeze %dma_start3A_255 : memref<1x16xi32, #tpu.memory_space<vmem>> -> memref<16xi32, #tpu.memory_space<vmem>>
      %dma_start3A_257 = arith.constant 0 : i32
      %dma_start3A_258 = arith.constant 0 : i32
      %dma_start3A_259 = tpu.memref_slice %arg5[%dma_start3A_257, %dma_start3A_258] : memref<2097152x16xf32, #tpu.memory_space<hbm>> -> memref<2097152x16xf32, #tpu.memory_space<hbm>>
      tpu.enqueue_indirect_dma source(%dma_start3A_259 : memref<2097152x16xf32, #tpu.memory_space<hbm>>) target(%dma_start3A_253 : memref<16x16xf32, #tpu.memory_space<vmem>>) offsets(%dma_start3A_256 : memref<16xi32, #tpu.memory_space<vmem>>) semaphore(%arg13 : memref<!tpu.dma_semaphore, #tpu.memory_space<semaphore_mem>>)
      %dma_wait3A_260 = arith.constant 0 : i32
      %dma_wait3A_261 = arith.constant 0 : i32
      %dma_wait3A_262 = arith.constant 0 : i32
      %dma_wait3A_263 = arith.constant 0 : i32
      %dma_wait3A_264 = tpu.memref_slice %arg11[%dma_wait3A_261, %dma_wait3A_262, %dma_wait3A_263] : memref<10x16x16xf32, #tpu.memory_space<vmem>> -> memref<1x16x16xf32, #tpu.memory_space<vmem>>
      %dma_wait3A_265 = tpu.memref_squeeze %dma_wait3A_264 : memref<1x16x16xf32, #tpu.memory_space<vmem>> -> memref<16x16xf32, #tpu.memory_space<vmem>>
      %dma_wait3A_266 = arith.constant 0 : i32
      %dma_wait3A_267 = tpu.memref_slice %arg10[%dma_wait3A_260, %dma_wait3A_266] : memref<10x16xi32, #tpu.memory_space<vmem>> -> memref<1x16xi32, #tpu.memory_space<vmem>>
      %dma_wait3A_268 = tpu.memref_squeeze %dma_wait3A_267 : memref<1x16xi32, #tpu.memory_space<vmem>> -> memref<16xi32, #tpu.memory_space<vmem>>
      %dma_wait3A_269 = arith.constant 0 : i32
      %dma_wait3A_270 = arith.constant 0 : i32
      %dma_wait3A_271 = tpu.memref_slice %arg5[%dma_wait3A_269, %dma_wait3A_270] : memref<2097152x16xf32, #tpu.memory_space<hbm>> -> memref<2097152x16xf32, #tpu.memory_space<hbm>>
      tpu.wait_indirect_dma semaphore(%arg13 : memref<!tpu.dma_semaphore, #tpu.memory_space<semaphore_mem>>) src(%dma_wait3A_271 : memref<2097152x16xf32, #tpu.memory_space<hbm>>) dst(%dma_wait3A_265 : memref<16x16xf32, #tpu.memory_space<vmem>>)
      %dma_wait3A_272 = arith.constant 1 : i32
      %dma_wait3A_273 = arith.constant 1 : i32
      %dma_wait3A_274 = arith.constant 0 : i32
      %dma_wait3A_275 = arith.constant 0 : i32
      %dma_wait3A_276 = tpu.memref_slice %arg11[%dma_wait3A_273, %dma_wait3A_274, %dma_wait3A_275] : memref<10x16x16xf32, #tpu.memory_space<vmem>> -> memref<1x16x16xf32, #tpu.memory_space<vmem>>
      %dma_wait3A_277 = tpu.memref_squeeze %dma_wait3A_276 : memref<1x16x16xf32, #tpu.memory_space<vmem>> -> memref<16x16xf32, #tpu.memory_space<vmem>>
      %dma_wait3A_278 = arith.constant 0 : i32
      %dma_wait3A_279 = tpu.memref_slice %arg10[%dma_wait3A_272, %dma_wait3A_278] : memref<10x16xi32, #tpu.memory_space<vmem>> -> memref<1x16xi32, #tpu.memory_space<vmem>>
      %dma_wait3A_280 = tpu.memref_squeeze %dma_wait3A_279 : memref<1x16xi32, #tpu.memory_space<vmem>> -> memref<16xi32, #tpu.memory_space<vmem>>
      %dma_wait3A_281 = arith.constant 0 : i32
      %dma_wait3A_282 = arith.constant 0 : i32
      %dma_wait3A_283 = tpu.memref_slice %arg5[%dma_wait3A_281, %dma_wait3A_282] : memref<2097152x16xf32, #tpu.memory_space<hbm>> -> memref<2097152x16xf32, #tpu.memory_space<hbm>>
      tpu.wait_indirect_dma semaphore(%arg13 : memref<!tpu.dma_semaphore, #tpu.memory_space<semaphore_mem>>) src(%dma_wait3A_283 : memref<2097152x16xf32, #tpu.memory_space<hbm>>) dst(%dma_wait3A_277 : memref<16x16xf32, #tpu.memory_space<vmem>>)
      %dma_wait3A_284 = arith.constant 2 : i32
      %dma_wait3A_285 = arith.constant 2 : i32
      %dma_wait3A_286 = arith.constant 0 : i32
      %dma_wait3A_287 = arith.constant 0 : i32
      %dma_wait3A_288 = tpu.memref_slice %arg11[%dma_wait3A_285, %dma_wait3A_286, %dma_wait3A_287] : memref<10x16x16xf32, #tpu.memory_space<vmem>> -> memref<1x16x16xf32, #tpu.memory_space<vmem>>
      %dma_wait3A_289 = tpu.memref_squeeze %dma_wait3A_288 : memref<1x16x16xf32, #tpu.memory_space<vmem>> -> memref<16x16xf32, #tpu.memory_space<vmem>>
      %dma_wait3A_290 = arith.constant 0 : i32
      %dma_wait3A_291 = tpu.memref_slice %arg10[%dma_wait3A_284, %dma_wait3A_290] : memref<10x16xi32, #tpu.memory_space<vmem>> -> memref<1x16xi32, #tpu.memory_space<vmem>>
      %dma_wait3A_292 = tpu.memref_squeeze %dma_wait3A_291 : memref<1x16xi32, #tpu.memory_space<vmem>> -> memref<16xi32, #tpu.memory_space<vmem>>
      %dma_wait3A_293 = arith.constant 0 : i32
      %dma_wait3A_294 = arith.constant 0 : i32
      %dma_wait3A_295 = tpu.memref_slice %arg5[%dma_wait3A_293, %dma_wait3A_294] : memref<2097152x16xf32, #tpu.memory_space<hbm>> -> memref<2097152x16xf32, #tpu.memory_space<hbm>>
      tpu.wait_indirect_dma semaphore(%arg13 : memref<!tpu.dma_semaphore, #tpu.memory_space<semaphore_mem>>) src(%dma_wait3A_295 : memref<2097152x16xf32, #tpu.memory_space<hbm>>) dst(%dma_wait3A_289 : memref<16x16xf32, #tpu.memory_space<vmem>>)
      %dma_wait3A_296 = arith.constant 3 : i32
      %dma_wait3A_297 = arith.constant 3 : i32
      %dma_wait3A_298 = arith.constant 0 : i32
      %dma_wait3A_299 = arith.constant 0 : i32
      %dma_wait3A_300 = tpu.memref_slice %arg11[%dma_wait3A_297, %dma_wait3A_298, %dma_wait3A_299] : memref<10x16x16xf32, #tpu.memory_space<vmem>> -> memref<1x16x16xf32, #tpu.memory_space<vmem>>
      %dma_wait3A_301 = tpu.memref_squeeze %dma_wait3A_300 : memref<1x16x16xf32, #tpu.memory_space<vmem>> -> memref<16x16xf32, #tpu.memory_space<vmem>>
      %dma_wait3A_302 = arith.constant 0 : i32
      %dma_wait3A_303 = tpu.memref_slice %arg10[%dma_wait3A_296, %dma_wait3A_302] : memref<10x16xi32, #tpu.memory_space<vmem>> -> memref<1x16xi32, #tpu.memory_space<vmem>>
      %dma_wait3A_304 = tpu.memref_squeeze %dma_wait3A_303 : memref<1x16xi32, #tpu.memory_space<vmem>> -> memref<16xi32, #tpu.memory_space<vmem>>
      %dma_wait3A_305 = arith.constant 0 : i32
      %dma_wait3A_306 = arith.constant 0 : i32
      %dma_wait3A_307 = tpu.memref_slice %arg5[%dma_wait3A_305, %dma_wait3A_306] : memref<2097152x16xf32, #tpu.memory_space<hbm>> -> memref<2097152x16xf32, #tpu.memory_space<hbm>>
      tpu.wait_indirect_dma semaphore(%arg13 : memref<!tpu.dma_semaphore, #tpu.memory_space<semaphore_mem>>) src(%dma_wait3A_307 : memref<2097152x16xf32, #tpu.memory_space<hbm>>) dst(%dma_wait3A_301 : memref<16x16xf32, #tpu.memory_space<vmem>>)
      %dma_wait3A_308 = arith.constant 4 : i32
      %dma_wait3A_309 = arith.constant 4 : i32
      %dma_wait3A_310 = arith.constant 0 : i32
      %dma_wait3A_311 = arith.constant 0 : i32
      %dma_wait3A_312 = tpu.memref_slice %arg11[%dma_wait3A_309, %dma_wait3A_310, %dma_wait3A_311] : memref<10x16x16xf32, #tpu.memory_space<vmem>> -> memref<1x16x16xf32, #tpu.memory_space<vmem>>
      %dma_wait3A_313 = tpu.memref_squeeze %dma_wait3A_312 : memref<1x16x16xf32, #tpu.memory_space<vmem>> -> memref<16x16xf32, #tpu.memory_space<vmem>>
      %dma_wait3A_314 = arith.constant 0 : i32
      %dma_wait3A_315 = tpu.memref_slice %arg10[%dma_wait3A_308, %dma_wait3A_314] : memref<10x16xi32, #tpu.memory_space<vmem>> -> memref<1x16xi32, #tpu.memory_space<vmem>>
      %dma_wait3A_316 = tpu.memref_squeeze %dma_wait3A_315 : memref<1x16xi32, #tpu.memory_space<vmem>> -> memref<16xi32, #tpu.memory_space<vmem>>
      %dma_wait3A_317 = arith.constant 0 : i32
      %dma_wait3A_318 = arith.constant 0 : i32
      %dma_wait3A_319 = tpu.memref_slice %arg5[%dma_wait3A_317, %dma_wait3A_318] : memref<2097152x16xf32, #tpu.memory_space<hbm>> -> memref<2097152x16xf32, #tpu.memory_space<hbm>>
      tpu.wait_indirect_dma semaphore(%arg13 : memref<!tpu.dma_semaphore, #tpu.memory_space<semaphore_mem>>) src(%dma_wait3A_319 : memref<2097152x16xf32, #tpu.memory_space<hbm>>) dst(%dma_wait3A_313 : memref<16x16xf32, #tpu.memory_space<vmem>>)
      %dma_wait3A_320 = arith.constant 5 : i32
      %dma_wait3A_321 = arith.constant 5 : i32
      %dma_wait3A_322 = arith.constant 0 : i32
      %dma_wait3A_323 = arith.constant 0 : i32
      %dma_wait3A_324 = tpu.memref_slice %arg11[%dma_wait3A_321, %dma_wait3A_322, %dma_wait3A_323] : memref<10x16x16xf32, #tpu.memory_space<vmem>> -> memref<1x16x16xf32, #tpu.memory_space<vmem>>
      %dma_wait3A_325 = tpu.memref_squeeze %dma_wait3A_324 : memref<1x16x16xf32, #tpu.memory_space<vmem>> -> memref<16x16xf32, #tpu.memory_space<vmem>>
      %dma_wait3A_326 = arith.constant 0 : i32
      %dma_wait3A_327 = tpu.memref_slice %arg10[%dma_wait3A_320, %dma_wait3A_326] : memref<10x16xi32, #tpu.memory_space<vmem>> -> memref<1x16xi32, #tpu.memory_space<vmem>>
      %dma_wait3A_328 = tpu.memref_squeeze %dma_wait3A_327 : memref<1x16xi32, #tpu.memory_space<vmem>> -> memref<16xi32, #tpu.memory_space<vmem>>
      %dma_wait3A_329 = arith.constant 0 : i32
      %dma_wait3A_330 = arith.constant 0 : i32
      %dma_wait3A_331 = tpu.memref_slice %arg5[%dma_wait3A_329, %dma_wait3A_330] : memref<2097152x16xf32, #tpu.memory_space<hbm>> -> memref<2097152x16xf32, #tpu.memory_space<hbm>>
      tpu.wait_indirect_dma semaphore(%arg13 : memref<!tpu.dma_semaphore, #tpu.memory_space<semaphore_mem>>) src(%dma_wait3A_331 : memref<2097152x16xf32, #tpu.memory_space<hbm>>) dst(%dma_wait3A_325 : memref<16x16xf32, #tpu.memory_space<vmem>>)
      %dma_wait3A_332 = arith.constant 6 : i32
      %dma_wait3A_333 = arith.constant 6 : i32
      %dma_wait3A_334 = arith.constant 0 : i32
      %dma_wait3A_335 = arith.constant 0 : i32
      %dma_wait3A_336 = tpu.memref_slice %arg11[%dma_wait3A_333, %dma_wait3A_334, %dma_wait3A_335] : memref<10x16x16xf32, #tpu.memory_space<vmem>> -> memref<1x16x16xf32, #tpu.memory_space<vmem>>
      %dma_wait3A_337 = tpu.memref_squeeze %dma_wait3A_336 : memref<1x16x16xf32, #tpu.memory_space<vmem>> -> memref<16x16xf32, #tpu.memory_space<vmem>>
      %dma_wait3A_338 = arith.constant 0 : i32
      %dma_wait3A_339 = tpu.memref_slice %arg10[%dma_wait3A_332, %dma_wait3A_338] : memref<10x16xi32, #tpu.memory_space<vmem>> -> memref<1x16xi32, #tpu.memory_space<vmem>>
      %dma_wait3A_340 = tpu.memref_squeeze %dma_wait3A_339 : memref<1x16xi32, #tpu.memory_space<vmem>> -> memref<16xi32, #tpu.memory_space<vmem>>
      %dma_wait3A_341 = arith.constant 0 : i32
      %dma_wait3A_342 = arith.constant 0 : i32
      %dma_wait3A_343 = tpu.memref_slice %arg5[%dma_wait3A_341, %dma_wait3A_342] : memref<2097152x16xf32, #tpu.memory_space<hbm>> -> memref<2097152x16xf32, #tpu.memory_space<hbm>>
      tpu.wait_indirect_dma semaphore(%arg13 : memref<!tpu.dma_semaphore, #tpu.memory_space<semaphore_mem>>) src(%dma_wait3A_343 : memref<2097152x16xf32, #tpu.memory_space<hbm>>) dst(%dma_wait3A_337 : memref<16x16xf32, #tpu.memory_space<vmem>>)
      %dma_wait3A_344 = arith.constant 7 : i32
      %dma_wait3A_345 = arith.constant 7 : i32
      %dma_wait3A_346 = arith.constant 0 : i32
      %dma_wait3A_347 = arith.constant 0 : i32
      %dma_wait3A_348 = tpu.memref_slice %arg11[%dma_wait3A_345, %dma_wait3A_346, %dma_wait3A_347] : memref<10x16x16xf32, #tpu.memory_space<vmem>> -> memref<1x16x16xf32, #tpu.memory_space<vmem>>
      %dma_wait3A_349 = tpu.memref_squeeze %dma_wait3A_348 : memref<1x16x16xf32, #tpu.memory_space<vmem>> -> memref<16x16xf32, #tpu.memory_space<vmem>>
      %dma_wait3A_350 = arith.constant 0 : i32
      %dma_wait3A_351 = tpu.memref_slice %arg10[%dma_wait3A_344, %dma_wait3A_350] : memref<10x16xi32, #tpu.memory_space<vmem>> -> memref<1x16xi32, #tpu.memory_space<vmem>>
      %dma_wait3A_352 = tpu.memref_squeeze %dma_wait3A_351 : memref<1x16xi32, #tpu.memory_space<vmem>> -> memref<16xi32, #tpu.memory_space<vmem>>
      %dma_wait3A_353 = arith.constant 0 : i32
      %dma_wait3A_354 = arith.constant 0 : i32
      %dma_wait3A_355 = tpu.memref_slice %arg5[%dma_wait3A_353, %dma_wait3A_354] : memref<2097152x16xf32, #tpu.memory_space<hbm>> -> memref<2097152x16xf32, #tpu.memory_space<hbm>>
      tpu.wait_indirect_dma semaphore(%arg13 : memref<!tpu.dma_semaphore, #tpu.memory_space<semaphore_mem>>) src(%dma_wait3A_355 : memref<2097152x16xf32, #tpu.memory_space<hbm>>) dst(%dma_wait3A_349 : memref<16x16xf32, #tpu.memory_space<vmem>>)
      %dma_wait3A_356 = arith.constant 8 : i32
      %dma_wait3A_357 = arith.constant 8 : i32
      %dma_wait3A_358 = arith.constant 0 : i32
      %dma_wait3A_359 = arith.constant 0 : i32
      %dma_wait3A_360 = tpu.memref_slice %arg11[%dma_wait3A_357, %dma_wait3A_358, %dma_wait3A_359] : memref<10x16x16xf32, #tpu.memory_space<vmem>> -> memref<1x16x16xf32, #tpu.memory_space<vmem>>
      %dma_wait3A_361 = tpu.memref_squeeze %dma_wait3A_360 : memref<1x16x16xf32, #tpu.memory_space<vmem>> -> memref<16x16xf32, #tpu.memory_space<vmem>>
      %dma_wait3A_362 = arith.constant 0 : i32
      %dma_wait3A_363 = tpu.memref_slice %arg10[%dma_wait3A_356, %dma_wait3A_362] : memref<10x16xi32, #tpu.memory_space<vmem>> -> memref<1x16xi32, #tpu.memory_space<vmem>>
      %dma_wait3A_364 = tpu.memref_squeeze %dma_wait3A_363 : memref<1x16xi32, #tpu.memory_space<vmem>> -> memref<16xi32, #tpu.memory_space<vmem>>
      %dma_wait3A_365 = arith.constant 0 : i32
      %dma_wait3A_366 = arith.constant 0 : i32
      %dma_wait3A_367 = tpu.memref_slice %arg5[%dma_wait3A_365, %dma_wait3A_366] : memref<2097152x16xf32, #tpu.memory_space<hbm>> -> memref<2097152x16xf32, #tpu.memory_space<hbm>>
      tpu.wait_indirect_dma semaphore(%arg13 : memref<!tpu.dma_semaphore, #tpu.memory_space<semaphore_mem>>) src(%dma_wait3A_367 : memref<2097152x16xf32, #tpu.memory_space<hbm>>) dst(%dma_wait3A_361 : memref<16x16xf32, #tpu.memory_space<vmem>>)
      %dma_wait3A_368 = arith.constant 9 : i32
      %dma_wait3A_369 = arith.constant 9 : i32
      %dma_wait3A_370 = arith.constant 0 : i32
      %dma_wait3A_371 = arith.constant 0 : i32
      %dma_wait3A_372 = tpu.memref_slice %arg11[%dma_wait3A_369, %dma_wait3A_370, %dma_wait3A_371] : memref<10x16x16xf32, #tpu.memory_space<vmem>> -> memref<1x16x16xf32, #tpu.memory_space<vmem>>
      %dma_wait3A_373 = tpu.memref_squeeze %dma_wait3A_372 : memref<1x16x16xf32, #tpu.memory_space<vmem>> -> memref<16x16xf32, #tpu.memory_space<vmem>>
      %dma_wait3A_374 = arith.constant 0 : i32
      %dma_wait3A_375 = tpu.memref_slice %arg10[%dma_wait3A_368, %dma_wait3A_374] : memref<10x16xi32, #tpu.memory_space<vmem>> -> memref<1x16xi32, #tpu.memory_space<vmem>>
      %dma_wait3A_376 = tpu.memref_squeeze %dma_wait3A_375 : memref<1x16xi32, #tpu.memory_space<vmem>> -> memref<16xi32, #tpu.memory_space<vmem>>
      %dma_wait3A_377 = arith.constant 0 : i32
      %dma_wait3A_378 = arith.constant 0 : i32
      %dma_wait3A_379 = tpu.memref_slice %arg5[%dma_wait3A_377, %dma_wait3A_378] : memref<2097152x16xf32, #tpu.memory_space<hbm>> -> memref<2097152x16xf32, #tpu.memory_space<hbm>>
      tpu.wait_indirect_dma semaphore(%arg13 : memref<!tpu.dma_semaphore, #tpu.memory_space<semaphore_mem>>) src(%dma_wait3A_379 : memref<2097152x16xf32, #tpu.memory_space<hbm>>) dst(%dma_wait3A_373 : memref<16x16xf32, #tpu.memory_space<vmem>>)
      %broadcast_in_dim3A_380 = arith.constant 0 : i32
      %broadcast_in_dim3A_381 = vector.broadcast %broadcast_in_dim3A_380 : i32 to vector<16xi32>
      %and3A = arith.constant 15 : i32
      %and3A_382 = vector.broadcast %and3A : i32 to vector<16xi32>
      %and3A_383 = arith.andi %gather3A, %and3A_382 : vector<16xi32>
      %gather3A_384 = tpu.vector_load_idx %arg11[%broadcast_in_dim3A_381, %iota3A, %and3A_383] : memref<10x16x16xf32, #tpu.memory_space<vmem>>[vector<16xi32>, vector<16xi32>, vector<16xi32>], vector<16xf32>,
      %broadcast_in_dim3A_385 = vector.broadcast %scan3A_9 : i32 to vector<16xi32>
      %broadcast_in_dim3A_386 = arith.constant 0 : i32
      %broadcast_in_dim3A_387 = vector.broadcast %broadcast_in_dim3A_386 : i32 to vector<16xi32>
      %gather3A_388 = tpu.vector_load_idx %arg8[%broadcast_in_dim3A_385, %broadcast_in_dim3A_387] : memref<8x16xf32, #tpu.memory_space<vmem>>[vector<16xi32>, vector<16xi32>], vector<16xf32>,
      %neg3A = arith.constant 0.000000e+00 : f32
      %neg3A_389 = vector.broadcast %neg3A : f32 to vector<16xf32>
      %neg3A_390 = arith.subf %neg3A_389, %gather3A_384 : vector<16xf32>
      %exp3A = math.exp %neg3A_390 : vector<16xf32>
      %add3A_391 = arith.constant 1.000000e+00 : f32
      %add3A_392 = vector.broadcast %add3A_391 : f32 to vector<16xf32>
      %add3A_393 = arith.addf %add3A_392, %exp3A : vector<16xf32>
      %div3A = arith.constant 1.000000e+00 : f32
      %div3A_394 = vector.broadcast %div3A : f32 to vector<16xf32>
      %div3A_395 = arith.divf %div3A_394, %add3A_393 : vector<16xf32>
      %neg3A_396 = arith.constant 0.000000e+00 : f32
      %neg3A_397 = vector.broadcast %neg3A_396 : f32 to vector<16xf32>
      %neg3A_398 = arith.subf %neg3A_397, %gather3A_388 : vector<16xf32>
      %exp3A_399 = math.exp %neg3A_398 : vector<16xf32>
      %add3A_400 = arith.constant 1.000000e+00 : f32
      %add3A_401 = vector.broadcast %add3A_400 : f32 to vector<16xf32>
      %add3A_402 = arith.addf %add3A_401, %exp3A_399 : vector<16xf32>
      %div3A_403 = arith.constant 1.000000e+00 : f32
      %div3A_404 = vector.broadcast %div3A_403 : f32 to vector<16xf32>
      %div3A_405 = arith.divf %div3A_404, %add3A_402 : vector<16xf32>
      %mul3A_406 = arith.mulf %div3A_395, %div3A_405 : vector<16xf32>
      %swap3A_407 = arith.index_cast %scan3A_9 : i32 to index
      %swap3A_408 = arith.constant 0 : index
      %swap3A_409 = tpu.vector_load %arg12[%swap3A_407, %swap3A_408] {strides = array<i32>} : memref<8x160xf32, #tpu.memory_space<vmem>>, vector<16xf32>,
      tpu.vector_store %arg12[%swap3A_407, %swap3A_408], %mul3A_406 {strides = array<i32>} : memref<8x160xf32, #tpu.memory_space<vmem>>, vector<16xf32>,
      %broadcast_in_dim3A_410 = arith.constant 1 : i32
      %broadcast_in_dim3A_411 = vector.broadcast %broadcast_in_dim3A_410 : i32 to vector<16xi32>
      %and3A_412 = arith.constant 15 : i32
      %and3A_413 = vector.broadcast %and3A_412 : i32 to vector<16xi32>
      %and3A_414 = arith.andi %gather3A_34, %and3A_413 : vector<16xi32>
      %gather3A_415 = tpu.vector_load_idx %arg11[%broadcast_in_dim3A_411, %iota3A, %and3A_414] : memref<10x16x16xf32, #tpu.memory_space<vmem>>[vector<16xi32>, vector<16xi32>, vector<16xi32>], vector<16xf32>,
      %broadcast_in_dim3A_416 = vector.broadcast %scan3A_9 : i32 to vector<16xi32>
      %broadcast_in_dim3A_417 = arith.constant 1 : i32
      %broadcast_in_dim3A_418 = vector.broadcast %broadcast_in_dim3A_417 : i32 to vector<16xi32>
      %gather3A_419 = tpu.vector_load_idx %arg8[%broadcast_in_dim3A_416, %broadcast_in_dim3A_418] : memref<8x16xf32, #tpu.memory_space<vmem>>[vector<16xi32>, vector<16xi32>], vector<16xf32>,
      %neg3A_420 = arith.constant 0.000000e+00 : f32
      %neg3A_421 = vector.broadcast %neg3A_420 : f32 to vector<16xf32>
      %neg3A_422 = arith.subf %neg3A_421, %gather3A_415 : vector<16xf32>
      %exp3A_423 = math.exp %neg3A_422 : vector<16xf32>
      %add3A_424 = arith.constant 1.000000e+00 : f32
      %add3A_425 = vector.broadcast %add3A_424 : f32 to vector<16xf32>
      %add3A_426 = arith.addf %add3A_425, %exp3A_423 : vector<16xf32>
      %div3A_427 = arith.constant 1.000000e+00 : f32
      %div3A_428 = vector.broadcast %div3A_427 : f32 to vector<16xf32>
      %div3A_429 = arith.divf %div3A_428, %add3A_426 : vector<16xf32>
      %neg3A_430 = arith.constant 0.000000e+00 : f32
      %neg3A_431 = vector.broadcast %neg3A_430 : f32 to vector<16xf32>
      %neg3A_432 = arith.subf %neg3A_431, %gather3A_419 : vector<16xf32>
      %exp3A_433 = math.exp %neg3A_432 : vector<16xf32>
      %add3A_434 = arith.constant 1.000000e+00 : f32
      %add3A_435 = vector.broadcast %add3A_434 : f32 to vector<16xf32>
      %add3A_436 = arith.addf %add3A_435, %exp3A_433 : vector<16xf32>
      %div3A_437 = arith.constant 1.000000e+00 : f32
      %div3A_438 = vector.broadcast %div3A_437 : f32 to vector<16xf32>
      %div3A_439 = arith.divf %div3A_438, %add3A_436 : vector<16xf32>
      %mul3A_440 = arith.mulf %div3A_429, %div3A_439 : vector<16xf32>
      %swap3A_441 = arith.index_cast %scan3A_9 : i32 to index
      %swap3A_442 = arith.constant 16 : index
      %swap3A_443 = tpu.vector_load %arg12[%swap3A_441, %swap3A_442] {strides = array<i32>} : memref<8x160xf32, #tpu.memory_space<vmem>>, vector<16xf32>,
      tpu.vector_store %arg12[%swap3A_441, %swap3A_442], %mul3A_440 {strides = array<i32>} : memref<8x160xf32, #tpu.memory_space<vmem>>, vector<16xf32>,
      %broadcast_in_dim3A_444 = arith.constant 2 : i32
      %broadcast_in_dim3A_445 = vector.broadcast %broadcast_in_dim3A_444 : i32 to vector<16xi32>
      %and3A_446 = arith.constant 15 : i32
      %and3A_447 = vector.broadcast %and3A_446 : i32 to vector<16xi32>
      %and3A_448 = arith.andi %gather3A_46, %and3A_447 : vector<16xi32>
      %gather3A_449 = tpu.vector_load_idx %arg11[%broadcast_in_dim3A_445, %iota3A, %and3A_448] : memref<10x16x16xf32, #tpu.memory_space<vmem>>[vector<16xi32>, vector<16xi32>, vector<16xi32>], vector<16xf32>,
      %broadcast_in_dim3A_450 = vector.broadcast %scan3A_9 : i32 to vector<16xi32>
      %broadcast_in_dim3A_451 = arith.constant 2 : i32
      %broadcast_in_dim3A_452 = vector.broadcast %broadcast_in_dim3A_451 : i32 to vector<16xi32>
      %gather3A_453 = tpu.vector_load_idx %arg8[%broadcast_in_dim3A_450, %broadcast_in_dim3A_452] : memref<8x16xf32, #tpu.memory_space<vmem>>[vector<16xi32>, vector<16xi32>], vector<16xf32>,
      %neg3A_454 = arith.constant 0.000000e+00 : f32
      %neg3A_455 = vector.broadcast %neg3A_454 : f32 to vector<16xf32>
      %neg3A_456 = arith.subf %neg3A_455, %gather3A_449 : vector<16xf32>
      %exp3A_457 = math.exp %neg3A_456 : vector<16xf32>
      %add3A_458 = arith.constant 1.000000e+00 : f32
      %add3A_459 = vector.broadcast %add3A_458 : f32 to vector<16xf32>
      %add3A_460 = arith.addf %add3A_459, %exp3A_457 : vector<16xf32>
      %div3A_461 = arith.constant 1.000000e+00 : f32
      %div3A_462 = vector.broadcast %div3A_461 : f32 to vector<16xf32>
      %div3A_463 = arith.divf %div3A_462, %add3A_460 : vector<16xf32>
      %neg3A_464 = arith.constant 0.000000e+00 : f32
      %neg3A_465 = vector.broadcast %neg3A_464 : f32 to vector<16xf32>
      %neg3A_466 = arith.subf %neg3A_465, %gather3A_453 : vector<16xf32>
      %exp3A_467 = math.exp %neg3A_466 : vector<16xf32>
      %add3A_468 = arith.constant 1.000000e+00 : f32
      %add3A_469 = vector.broadcast %add3A_468 : f32 to vector<16xf32>
      %add3A_470 = arith.addf %add3A_469, %exp3A_467 : vector<16xf32>
      %div3A_471 = arith.constant 1.000000e+00 : f32
      %div3A_472 = vector.broadcast %div3A_471 : f32 to vector<16xf32>
      %div3A_473 = arith.divf %div3A_472, %add3A_470 : vector<16xf32>
      %mul3A_474 = arith.mulf %div3A_463, %div3A_473 : vector<16xf32>
      %swap3A_475 = arith.index_cast %scan3A_9 : i32 to index
      %swap3A_476 = arith.constant 32 : index
      %swap3A_477 = tpu.vector_load %arg12[%swap3A_475, %swap3A_476] {strides = array<i32>} : memref<8x160xf32, #tpu.memory_space<vmem>>, vector<16xf32>,
      tpu.vector_store %arg12[%swap3A_475, %swap3A_476], %mul3A_474 {strides = array<i32>} : memref<8x160xf32, #tpu.memory_space<vmem>>, vector<16xf32>,
      %broadcast_in_dim3A_478 = arith.constant 3 : i32
      %broadcast_in_dim3A_479 = vector.broadcast %broadcast_in_dim3A_478 : i32 to vector<16xi32>
      %and3A_480 = arith.constant 15 : i32
      %and3A_481 = vector.broadcast %and3A_480 : i32 to vector<16xi32>
      %and3A_482 = arith.andi %gather3A_58, %and3A_481 : vector<16xi32>
      %gather3A_483 = tpu.vector_load_idx %arg11[%broadcast_in_dim3A_479, %iota3A, %and3A_482] : memref<10x16x16xf32, #tpu.memory_space<vmem>>[vector<16xi32>, vector<16xi32>, vector<16xi32>], vector<16xf32>,
      %broadcast_in_dim3A_484 = vector.broadcast %scan3A_9 : i32 to vector<16xi32>
      %broadcast_in_dim3A_485 = arith.constant 3 : i32
      %broadcast_in_dim3A_486 = vector.broadcast %broadcast_in_dim3A_485 : i32 to vector<16xi32>
      %gather3A_487 = tpu.vector_load_idx %arg8[%broadcast_in_dim3A_484, %broadcast_in_dim3A_486] : memref<8x16xf32, #tpu.memory_space<vmem>>[vector<16xi32>, vector<16xi32>], vector<16xf32>,
      %neg3A_488 = arith.constant 0.000000e+00 : f32
      %neg3A_489 = vector.broadcast %neg3A_488 : f32 to vector<16xf32>
      %neg3A_490 = arith.subf %neg3A_489, %gather3A_483 : vector<16xf32>
      %exp3A_491 = math.exp %neg3A_490 : vector<16xf32>
      %add3A_492 = arith.constant 1.000000e+00 : f32
      %add3A_493 = vector.broadcast %add3A_492 : f32 to vector<16xf32>
      %add3A_494 = arith.addf %add3A_493, %exp3A_491 : vector<16xf32>
      %div3A_495 = arith.constant 1.000000e+00 : f32
      %div3A_496 = vector.broadcast %div3A_495 : f32 to vector<16xf32>
      %div3A_497 = arith.divf %div3A_496, %add3A_494 : vector<16xf32>
      %neg3A_498 = arith.constant 0.000000e+00 : f32
      %neg3A_499 = vector.broadcast %neg3A_498 : f32 to vector<16xf32>
      %neg3A_500 = arith.subf %neg3A_499, %gather3A_487 : vector<16xf32>
      %exp3A_501 = math.exp %neg3A_500 : vector<16xf32>
      %add3A_502 = arith.constant 1.000000e+00 : f32
      %add3A_503 = vector.broadcast %add3A_502 : f32 to vector<16xf32>
      %add3A_504 = arith.addf %add3A_503, %exp3A_501 : vector<16xf32>
      %div3A_505 = arith.constant 1.000000e+00 : f32
      %div3A_506 = vector.broadcast %div3A_505 : f32 to vector<16xf32>
      %div3A_507 = arith.divf %div3A_506, %add3A_504 : vector<16xf32>
      %mul3A_508 = arith.mulf %div3A_497, %div3A_507 : vector<16xf32>
      %swap3A_509 = arith.index_cast %scan3A_9 : i32 to index
      %swap3A_510 = arith.constant 48 : index
      %swap3A_511 = tpu.vector_load %arg12[%swap3A_509, %swap3A_510] {strides = array<i32>} : memref<8x160xf32, #tpu.memory_space<vmem>>, vector<16xf32>,
      tpu.vector_store %arg12[%swap3A_509, %swap3A_510], %mul3A_508 {strides = array<i32>} : memref<8x160xf32, #tpu.memory_space<vmem>>, vector<16xf32>,
      %broadcast_in_dim3A_512 = arith.constant 4 : i32
      %broadcast_in_dim3A_513 = vector.broadcast %broadcast_in_dim3A_512 : i32 to vector<16xi32>
      %and3A_514 = arith.constant 15 : i32
      %and3A_515 = vector.broadcast %and3A_514 : i32 to vector<16xi32>
      %and3A_516 = arith.andi %gather3A_70, %and3A_515 : vector<16xi32>
      %gather3A_517 = tpu.vector_load_idx %arg11[%broadcast_in_dim3A_513, %iota3A, %and3A_516] : memref<10x16x16xf32, #tpu.memory_space<vmem>>[vector<16xi32>, vector<16xi32>, vector<16xi32>], vector<16xf32>,
      %broadcast_in_dim3A_518 = vector.broadcast %scan3A_9 : i32 to vector<16xi32>
      %broadcast_in_dim3A_519 = arith.constant 4 : i32
      %broadcast_in_dim3A_520 = vector.broadcast %broadcast_in_dim3A_519 : i32 to vector<16xi32>
      %gather3A_521 = tpu.vector_load_idx %arg8[%broadcast_in_dim3A_518, %broadcast_in_dim3A_520] : memref<8x16xf32, #tpu.memory_space<vmem>>[vector<16xi32>, vector<16xi32>], vector<16xf32>,
      %neg3A_522 = arith.constant 0.000000e+00 : f32
      %neg3A_523 = vector.broadcast %neg3A_522 : f32 to vector<16xf32>
      %neg3A_524 = arith.subf %neg3A_523, %gather3A_517 : vector<16xf32>
      %exp3A_525 = math.exp %neg3A_524 : vector<16xf32>
      %add3A_526 = arith.constant 1.000000e+00 : f32
      %add3A_527 = vector.broadcast %add3A_526 : f32 to vector<16xf32>
      %add3A_528 = arith.addf %add3A_527, %exp3A_525 : vector<16xf32>
      %div3A_529 = arith.constant 1.000000e+00 : f32
      %div3A_530 = vector.broadcast %div3A_529 : f32 to vector<16xf32>
      %div3A_531 = arith.divf %div3A_530, %add3A_528 : vector<16xf32>
      %neg3A_532 = arith.constant 0.000000e+00 : f32
      %neg3A_533 = vector.broadcast %neg3A_532 : f32 to vector<16xf32>
      %neg3A_534 = arith.subf %neg3A_533, %gather3A_521 : vector<16xf32>
      %exp3A_535 = math.exp %neg3A_534 : vector<16xf32>
      %add3A_536 = arith.constant 1.000000e+00 : f32
      %add3A_537 = vector.broadcast %add3A_536 : f32 to vector<16xf32>
      %add3A_538 = arith.addf %add3A_537, %exp3A_535 : vector<16xf32>
      %div3A_539 = arith.constant 1.000000e+00 : f32
      %div3A_540 = vector.broadcast %div3A_539 : f32 to vector<16xf32>
      %div3A_541 = arith.divf %div3A_540, %add3A_538 : vector<16xf32>
      %mul3A_542 = arith.mulf %div3A_531, %div3A_541 : vector<16xf32>
      %swap3A_543 = arith.index_cast %scan3A_9 : i32 to index
      %swap3A_544 = arith.constant 64 : index
      %swap3A_545 = tpu.vector_load %arg12[%swap3A_543, %swap3A_544] {strides = array<i32>} : memref<8x160xf32, #tpu.memory_space<vmem>>, vector<16xf32>,
      tpu.vector_store %arg12[%swap3A_543, %swap3A_544], %mul3A_542 {strides = array<i32>} : memref<8x160xf32, #tpu.memory_space<vmem>>, vector<16xf32>,
      %broadcast_in_dim3A_546 = arith.constant 5 : i32
      %broadcast_in_dim3A_547 = vector.broadcast %broadcast_in_dim3A_546 : i32 to vector<16xi32>
      %and3A_548 = arith.constant 15 : i32
      %and3A_549 = vector.broadcast %and3A_548 : i32 to vector<16xi32>
      %and3A_550 = arith.andi %gather3A_82, %and3A_549 : vector<16xi32>
      %gather3A_551 = tpu.vector_load_idx %arg11[%broadcast_in_dim3A_547, %iota3A, %and3A_550] : memref<10x16x16xf32, #tpu.memory_space<vmem>>[vector<16xi32>, vector<16xi32>, vector<16xi32>], vector<16xf32>,
      %broadcast_in_dim3A_552 = vector.broadcast %scan3A_9 : i32 to vector<16xi32>
      %broadcast_in_dim3A_553 = arith.constant 5 : i32
      %broadcast_in_dim3A_554 = vector.broadcast %broadcast_in_dim3A_553 : i32 to vector<16xi32>
      %gather3A_555 = tpu.vector_load_idx %arg8[%broadcast_in_dim3A_552, %broadcast_in_dim3A_554] : memref<8x16xf32, #tpu.memory_space<vmem>>[vector<16xi32>, vector<16xi32>], vector<16xf32>,
      %neg3A_556 = arith.constant 0.000000e+00 : f32
      %neg3A_557 = vector.broadcast %neg3A_556 : f32 to vector<16xf32>
      %neg3A_558 = arith.subf %neg3A_557, %gather3A_551 : vector<16xf32>
      %exp3A_559 = math.exp %neg3A_558 : vector<16xf32>
      %add3A_560 = arith.constant 1.000000e+00 : f32
      %add3A_561 = vector.broadcast %add3A_560 : f32 to vector<16xf32>
      %add3A_562 = arith.addf %add3A_561, %exp3A_559 : vector<16xf32>
      %div3A_563 = arith.constant 1.000000e+00 : f32
      %div3A_564 = vector.broadcast %div3A_563 : f32 to vector<16xf32>
      %div3A_565 = arith.divf %div3A_564, %add3A_562 : vector<16xf32>
      %neg3A_566 = arith.constant 0.000000e+00 : f32
      %neg3A_567 = vector.broadcast %neg3A_566 : f32 to vector<16xf32>
      %neg3A_568 = arith.subf %neg3A_567, %gather3A_555 : vector<16xf32>
      %exp3A_569 = math.exp %neg3A_568 : vector<16xf32>
      %add3A_570 = arith.constant 1.000000e+00 : f32
      %add3A_571 = vector.broadcast %add3A_570 : f32 to vector<16xf32>
      %add3A_572 = arith.addf %add3A_571, %exp3A_569 : vector<16xf32>
      %div3A_573 = arith.constant 1.000000e+00 : f32
      %div3A_574 = vector.broadcast %div3A_573 : f32 to vector<16xf32>
      %div3A_575 = arith.divf %div3A_574, %add3A_572 : vector<16xf32>
      %mul3A_576 = arith.mulf %div3A_565, %div3A_575 : vector<16xf32>
      %swap3A_577 = arith.index_cast %scan3A_9 : i32 to index
      %swap3A_578 = arith.constant 80 : index
      %swap3A_579 = tpu.vector_load %arg12[%swap3A_577, %swap3A_578] {strides = array<i32>} : memref<8x160xf32, #tpu.memory_space<vmem>>, vector<16xf32>,
      tpu.vector_store %arg12[%swap3A_577, %swap3A_578], %mul3A_576 {strides = array<i32>} : memref<8x160xf32, #tpu.memory_space<vmem>>, vector<16xf32>,
      %broadcast_in_dim3A_580 = arith.constant 6 : i32
      %broadcast_in_dim3A_581 = vector.broadcast %broadcast_in_dim3A_580 : i32 to vector<16xi32>
      %and3A_582 = arith.constant 15 : i32
      %and3A_583 = vector.broadcast %and3A_582 : i32 to vector<16xi32>
      %and3A_584 = arith.andi %gather3A_94, %and3A_583 : vector<16xi32>
      %gather3A_585 = tpu.vector_load_idx %arg11[%broadcast_in_dim3A_581, %iota3A, %and3A_584] : memref<10x16x16xf32, #tpu.memory_space<vmem>>[vector<16xi32>, vector<16xi32>, vector<16xi32>], vector<16xf32>,
      %broadcast_in_dim3A_586 = vector.broadcast %scan3A_9 : i32 to vector<16xi32>
      %broadcast_in_dim3A_587 = arith.constant 6 : i32
      %broadcast_in_dim3A_588 = vector.broadcast %broadcast_in_dim3A_587 : i32 to vector<16xi32>
      %gather3A_589 = tpu.vector_load_idx %arg8[%broadcast_in_dim3A_586, %broadcast_in_dim3A_588] : memref<8x16xf32, #tpu.memory_space<vmem>>[vector<16xi32>, vector<16xi32>], vector<16xf32>,
      %neg3A_590 = arith.constant 0.000000e+00 : f32
      %neg3A_591 = vector.broadcast %neg3A_590 : f32 to vector<16xf32>
      %neg3A_592 = arith.subf %neg3A_591, %gather3A_585 : vector<16xf32>
      %exp3A_593 = math.exp %neg3A_592 : vector<16xf32>
      %add3A_594 = arith.constant 1.000000e+00 : f32
      %add3A_595 = vector.broadcast %add3A_594 : f32 to vector<16xf32>
      %add3A_596 = arith.addf %add3A_595, %exp3A_593 : vector<16xf32>
      %div3A_597 = arith.constant 1.000000e+00 : f32
      %div3A_598 = vector.broadcast %div3A_597 : f32 to vector<16xf32>
      %div3A_599 = arith.divf %div3A_598, %add3A_596 : vector<16xf32>
      %neg3A_600 = arith.constant 0.000000e+00 : f32
      %neg3A_601 = vector.broadcast %neg3A_600 : f32 to vector<16xf32>
      %neg3A_602 = arith.subf %neg3A_601, %gather3A_589 : vector<16xf32>
      %exp3A_603 = math.exp %neg3A_602 : vector<16xf32>
      %add3A_604 = arith.constant 1.000000e+00 : f32
      %add3A_605 = vector.broadcast %add3A_604 : f32 to vector<16xf32>
      %add3A_606 = arith.addf %add3A_605, %exp3A_603 : vector<16xf32>
      %div3A_607 = arith.constant 1.000000e+00 : f32
      %div3A_608 = vector.broadcast %div3A_607 : f32 to vector<16xf32>
      %div3A_609 = arith.divf %div3A_608, %add3A_606 : vector<16xf32>
      %mul3A_610 = arith.mulf %div3A_599, %div3A_609 : vector<16xf32>
      %swap3A_611 = arith.index_cast %scan3A_9 : i32 to index
      %swap3A_612 = arith.constant 96 : index
      %swap3A_613 = tpu.vector_load %arg12[%swap3A_611, %swap3A_612] {strides = array<i32>} : memref<8x160xf32, #tpu.memory_space<vmem>>, vector<16xf32>,
      tpu.vector_store %arg12[%swap3A_611, %swap3A_612], %mul3A_610 {strides = array<i32>} : memref<8x160xf32, #tpu.memory_space<vmem>>, vector<16xf32>,
      %broadcast_in_dim3A_614 = arith.constant 7 : i32
      %broadcast_in_dim3A_615 = vector.broadcast %broadcast_in_dim3A_614 : i32 to vector<16xi32>
      %and3A_616 = arith.constant 15 : i32
      %and3A_617 = vector.broadcast %and3A_616 : i32 to vector<16xi32>
      %and3A_618 = arith.andi %gather3A_106, %and3A_617 : vector<16xi32>
      %gather3A_619 = tpu.vector_load_idx %arg11[%broadcast_in_dim3A_615, %iota3A, %and3A_618] : memref<10x16x16xf32, #tpu.memory_space<vmem>>[vector<16xi32>, vector<16xi32>, vector<16xi32>], vector<16xf32>,
      %broadcast_in_dim3A_620 = vector.broadcast %scan3A_9 : i32 to vector<16xi32>
      %broadcast_in_dim3A_621 = arith.constant 7 : i32
      %broadcast_in_dim3A_622 = vector.broadcast %broadcast_in_dim3A_621 : i32 to vector<16xi32>
      %gather3A_623 = tpu.vector_load_idx %arg8[%broadcast_in_dim3A_620, %broadcast_in_dim3A_622] : memref<8x16xf32, #tpu.memory_space<vmem>>[vector<16xi32>, vector<16xi32>], vector<16xf32>,
      %neg3A_624 = arith.constant 0.000000e+00 : f32
      %neg3A_625 = vector.broadcast %neg3A_624 : f32 to vector<16xf32>
      %neg3A_626 = arith.subf %neg3A_625, %gather3A_619 : vector<16xf32>
      %exp3A_627 = math.exp %neg3A_626 : vector<16xf32>
      %add3A_628 = arith.constant 1.000000e+00 : f32
      %add3A_629 = vector.broadcast %add3A_628 : f32 to vector<16xf32>
      %add3A_630 = arith.addf %add3A_629, %exp3A_627 : vector<16xf32>
      %div3A_631 = arith.constant 1.000000e+00 : f32
      %div3A_632 = vector.broadcast %div3A_631 : f32 to vector<16xf32>
      %div3A_633 = arith.divf %div3A_632, %add3A_630 : vector<16xf32>
      %neg3A_634 = arith.constant 0.000000e+00 : f32
      %neg3A_635 = vector.broadcast %neg3A_634 : f32 to vector<16xf32>
      %neg3A_636 = arith.subf %neg3A_635, %gather3A_623 : vector<16xf32>
      %exp3A_637 = math.exp %neg3A_636 : vector<16xf32>
      %add3A_638 = arith.constant 1.000000e+00 : f32
      %add3A_639 = vector.broadcast %add3A_638 : f32 to vector<16xf32>
      %add3A_640 = arith.addf %add3A_639, %exp3A_637 : vector<16xf32>
      %div3A_641 = arith.constant 1.000000e+00 : f32
      %div3A_642 = vector.broadcast %div3A_641 : f32 to vector<16xf32>
      %div3A_643 = arith.divf %div3A_642, %add3A_640 : vector<16xf32>
      %mul3A_644 = arith.mulf %div3A_633, %div3A_643 : vector<16xf32>
      %swap3A_645 = arith.index_cast %scan3A_9 : i32 to index
      %swap3A_646 = arith.constant 112 : index
      %swap3A_647 = tpu.vector_load %arg12[%swap3A_645, %swap3A_646] {strides = array<i32>} : memref<8x160xf32, #tpu.memory_space<vmem>>, vector<16xf32>,
      tpu.vector_store %arg12[%swap3A_645, %swap3A_646], %mul3A_644 {strides = array<i32>} : memref<8x160xf32, #tpu.memory_space<vmem>>, vector<16xf32>,
      %broadcast_in_dim3A_648 = arith.constant 8 : i32
      %broadcast_in_dim3A_649 = vector.broadcast %broadcast_in_dim3A_648 : i32 to vector<16xi32>
      %and3A_650 = arith.constant 15 : i32
      %and3A_651 = vector.broadcast %and3A_650 : i32 to vector<16xi32>
      %and3A_652 = arith.andi %gather3A_118, %and3A_651 : vector<16xi32>
      %gather3A_653 = tpu.vector_load_idx %arg11[%broadcast_in_dim3A_649, %iota3A, %and3A_652] : memref<10x16x16xf32, #tpu.memory_space<vmem>>[vector<16xi32>, vector<16xi32>, vector<16xi32>], vector<16xf32>,
      %broadcast_in_dim3A_654 = vector.broadcast %scan3A_9 : i32 to vector<16xi32>
      %broadcast_in_dim3A_655 = arith.constant 8 : i32
      %broadcast_in_dim3A_656 = vector.broadcast %broadcast_in_dim3A_655 : i32 to vector<16xi32>
      %gather3A_657 = tpu.vector_load_idx %arg8[%broadcast_in_dim3A_654, %broadcast_in_dim3A_656] : memref<8x16xf32, #tpu.memory_space<vmem>>[vector<16xi32>, vector<16xi32>], vector<16xf32>,
      %neg3A_658 = arith.constant 0.000000e+00 : f32
      %neg3A_659 = vector.broadcast %neg3A_658 : f32 to vector<16xf32>
      %neg3A_660 = arith.subf %neg3A_659, %gather3A_653 : vector<16xf32>
      %exp3A_661 = math.exp %neg3A_660 : vector<16xf32>
      %add3A_662 = arith.constant 1.000000e+00 : f32
      %add3A_663 = vector.broadcast %add3A_662 : f32 to vector<16xf32>
      %add3A_664 = arith.addf %add3A_663, %exp3A_661 : vector<16xf32>
      %div3A_665 = arith.constant 1.000000e+00 : f32
      %div3A_666 = vector.broadcast %div3A_665 : f32 to vector<16xf32>
      %div3A_667 = arith.divf %div3A_666, %add3A_664 : vector<16xf32>
      %neg3A_668 = arith.constant 0.000000e+00 : f32
      %neg3A_669 = vector.broadcast %neg3A_668 : f32 to vector<16xf32>
      %neg3A_670 = arith.subf %neg3A_669, %gather3A_657 : vector<16xf32>
      %exp3A_671 = math.exp %neg3A_670 : vector<16xf32>
      %add3A_672 = arith.constant 1.000000e+00 : f32
      %add3A_673 = vector.broadcast %add3A_672 : f32 to vector<16xf32>
      %add3A_674 = arith.addf %add3A_673, %exp3A_671 : vector<16xf32>
      %div3A_675 = arith.constant 1.000000e+00 : f32
      %div3A_676 = vector.broadcast %div3A_675 : f32 to vector<16xf32>
      %div3A_677 = arith.divf %div3A_676, %add3A_674 : vector<16xf32>
      %mul3A_678 = arith.mulf %div3A_667, %div3A_677 : vector<16xf32>
      %swap3A_679 = arith.index_cast %scan3A_9 : i32 to index
      %swap3A_680 = arith.constant 128 : index
      %swap3A_681 = tpu.vector_load %arg12[%swap3A_679, %swap3A_680] {strides = array<i32>} : memref<8x160xf32, #tpu.memory_space<vmem>>, vector<16xf32>,
      tpu.vector_store %arg12[%swap3A_679, %swap3A_680], %mul3A_678 {strides = array<i32>} : memref<8x160xf32, #tpu.memory_space<vmem>>, vector<16xf32>,
      %broadcast_in_dim3A_682 = arith.constant 9 : i32
      %broadcast_in_dim3A_683 = vector.broadcast %broadcast_in_dim3A_682 : i32 to vector<16xi32>
      %and3A_684 = arith.constant 15 : i32
      %and3A_685 = vector.broadcast %and3A_684 : i32 to vector<16xi32>
      %and3A_686 = arith.andi %gather3A_130, %and3A_685 : vector<16xi32>
      %gather3A_687 = tpu.vector_load_idx %arg11[%broadcast_in_dim3A_683, %iota3A, %and3A_686] : memref<10x16x16xf32, #tpu.memory_space<vmem>>[vector<16xi32>, vector<16xi32>, vector<16xi32>], vector<16xf32>,
      %broadcast_in_dim3A_688 = vector.broadcast %scan3A_9 : i32 to vector<16xi32>
      %broadcast_in_dim3A_689 = arith.constant 9 : i32
      %broadcast_in_dim3A_690 = vector.broadcast %broadcast_in_dim3A_689 : i32 to vector<16xi32>
      %gather3A_691 = tpu.vector_load_idx %arg8[%broadcast_in_dim3A_688, %broadcast_in_dim3A_690] : memref<8x16xf32, #tpu.memory_space<vmem>>[vector<16xi32>, vector<16xi32>], vector<16xf32>,
      %neg3A_692 = arith.constant 0.000000e+00 : f32
      %neg3A_693 = vector.broadcast %neg3A_692 : f32 to vector<16xf32>
      %neg3A_694 = arith.subf %neg3A_693, %gather3A_687 : vector<16xf32>
      %exp3A_695 = math.exp %neg3A_694 : vector<16xf32>
      %add3A_696 = arith.constant 1.000000e+00 : f32
      %add3A_697 = vector.broadcast %add3A_696 : f32 to vector<16xf32>
      %add3A_698 = arith.addf %add3A_697, %exp3A_695 : vector<16xf32>
      %div3A_699 = arith.constant 1.000000e+00 : f32
      %div3A_700 = vector.broadcast %div3A_699 : f32 to vector<16xf32>
      %div3A_701 = arith.divf %div3A_700, %add3A_698 : vector<16xf32>
      %neg3A_702 = arith.constant 0.000000e+00 : f32
      %neg3A_703 = vector.broadcast %neg3A_702 : f32 to vector<16xf32>
      %neg3A_704 = arith.subf %neg3A_703, %gather3A_691 : vector<16xf32>
      %exp3A_705 = math.exp %neg3A_704 : vector<16xf32>
      %add3A_706 = arith.constant 1.000000e+00 : f32
      %add3A_707 = vector.broadcast %add3A_706 : f32 to vector<16xf32>
      %add3A_708 = arith.addf %add3A_707, %exp3A_705 : vector<16xf32>
      %div3A_709 = arith.constant 1.000000e+00 : f32
      %div3A_710 = vector.broadcast %div3A_709 : f32 to vector<16xf32>
      %div3A_711 = arith.divf %div3A_710, %add3A_708 : vector<16xf32>
      %mul3A_712 = arith.mulf %div3A_701, %div3A_711 : vector<16xf32>
      %swap3A_713 = arith.index_cast %scan3A_9 : i32 to index
      %swap3A_714 = arith.constant 144 : index
      %swap3A_715 = tpu.vector_load %arg12[%swap3A_713, %swap3A_714] {strides = array<i32>} : memref<8x160xf32, #tpu.memory_space<vmem>>, vector<16xf32>,
      tpu.vector_store %arg12[%swap3A_713, %swap3A_714], %mul3A_712 {strides = array<i32>} : memref<8x160xf32, #tpu.memory_space<vmem>>, vector<16xf32>,
      %scan3A_716 = arith.constant 0 : i32
      scf.yield %scan3A_716 : i32
    }
    %scan3A_8 = arith.constant 8 : i32
    "tpu.region"() ({
      %run_scoped3A = tpu.sem_alloc : memref<!tpu.dma_semaphore, #tpu.memory_space<semaphore_mem>>
      %dma_start3A = arith.constant 0 : i32
      %dma_start3A_9 = tpu.memref_slice %arg6[%mul3A_2, %dma_start3A] : memref<256x160xf32, #tpu.memory_space<hbm>> -> memref<8x160xf32, #tpu.memory_space<hbm>>
      %dma_start3A_10 = arith.constant 0 : i32
      %dma_start3A_11 = tpu.memref_slice %arg6[%mul3A_2, %dma_start3A_10] : memref<256x160xf32, #tpu.memory_space<hbm>> -> memref<8x160xf32, #tpu.memory_space<hbm>>
      tpu.enqueue_dma source(%arg12 : memref<8x160xf32, #tpu.memory_space<vmem>>) target(%dma_start3A_11 : memref<8x160xf32, #tpu.memory_space<hbm>>) target_semaphore(%run_scoped3A : memref<!tpu.dma_semaphore, #tpu.memory_space<semaphore_mem>>)
      %dma_wait3A = arith.constant 0 : i32
      %dma_wait3A_12 = tpu.memref_slice %arg6[%mul3A_2, %dma_wait3A] : memref<256x160xf32, #tpu.memory_space<hbm>> -> memref<8x160xf32, #tpu.memory_space<hbm>>
      %dma_wait3A_13 = arith.constant 0 : i32
      %dma_wait3A_14 = tpu.memref_slice %arg6[%mul3A_2, %dma_wait3A_13] : memref<256x160xf32, #tpu.memory_space<hbm>> -> memref<8x160xf32, #tpu.memory_space<hbm>>
      tpu.wait_dma2 semaphore(%run_scoped3A : memref<!tpu.dma_semaphore, #tpu.memory_space<semaphore_mem>>) src(%arg12 : memref<8x160xf32, #tpu.memory_space<vmem>>) dst(%dma_wait3A_14 : memref<8x160xf32, #tpu.memory_space<hbm>>)
      tpu.yield
    }) : () -> ()
    return
  }
}

module attributes {stable_mosaic.version = 14 : i64} {
  func.func @_tc_body(%arg0: i32, %arg1: memref<256x768xf32, #tpu.memory_space<vmem>>, %arg2: memref<768x1024xf32, #tpu.memory_space<vmem>>, %arg3: memref<1x1024xf32, #tpu.memory_space<vmem>>, %arg4: memref<768x304xf32, #tpu.memory_space<vmem>>, %arg5: memref<1x304xf32, #tpu.memory_space<vmem>>, %arg6: memref<256x16xf32, #tpu.memory_space<vmem>>, %arg7: memref<256x16xi32, #tpu.memory_space<vmem>>, %arg8: memref<256x304xf32, #tpu.memory_space<vmem>>, %arg9: memref<256x8192xf32, #tpu.memory_space<vmem>>) attributes {dimension_semantics = [#tpu.dimension_semantics<arbitrary>], iteration_bounds = array<i64: 8>, scalar_prefetch = 0 : i64, scratch_operands = 1 : i64, tpu.core_type = #tpu.core_type<tc>, window_params = [{pipeline_mode = #tpu.pipeline_mode<synchronous>, transform_indices = @transform_0, window_bounds = array<i64: 256, 768>}, {transform_indices = @transform_1, window_bounds = array<i64: 768, 1024>}, {transform_indices = @transform_2, window_bounds = array<i64: 1, 1024>}, {pipeline_mode = #tpu.pipeline_mode<synchronous>, transform_indices = @transform_3, window_bounds = array<i64: 768, 304>}, {pipeline_mode = #tpu.pipeline_mode<synchronous>, transform_indices = @transform_4, window_bounds = array<i64: 1, 304>}, {pipeline_mode = #tpu.pipeline_mode<synchronous>, transform_indices = @transform_5, window_bounds = array<i64: 256, 16>}, {pipeline_mode = #tpu.pipeline_mode<synchronous>, transform_indices = @transform_6, window_bounds = array<i64: 256, 16>}, {pipeline_mode = #tpu.pipeline_mode<synchronous>, transform_indices = @transform_7, window_bounds = array<i64: 256, 304>}]} {
    %get3A = arith.constant 0 : index
    %get3A_0 = arith.constant 0 : index
    %get3A_1 = vector.load %arg1[%get3A, %get3A_0] : memref<256x768xf32, #tpu.memory_space<vmem>>, vector<256x768xf32>
    %get3A_2 = arith.constant 0 : index
    %get3A_3 = arith.constant 0 : index
    %get3A_4 = vector.load %arg2[%get3A_2, %get3A_3] : memref<768x1024xf32, #tpu.memory_space<vmem>>, vector<768x1024xf32>
    %dot_general3A = arith.constant dense<0.000000e+00> : vector<256x1024xf32>
    %dot_general3A_5 = tpu.matmul %get3A_1, %get3A_4, %dot_general3A {dimension_numbers = #tpu.dot_dimension_numbers<[1], [0], [0], [1], [0, 0, 1, 1], [], []>, transpose_lhs_hint = false} : vector<256x768xf32>, vector<768x1024xf32>, vector<256x1024xf32> -> vector<256x1024xf32>
    %get3A_6 = arith.constant 0 : index
    %get3A_7 = arith.constant 0 : index
    %get3A_8 = vector.load %arg3[%get3A_6, %get3A_7] : memref<1x1024xf32, #tpu.memory_space<vmem>>, vector<1x1024xf32>
    %add3A = vector.broadcast %get3A_8 : vector<1x1024xf32> to vector<256x1024xf32>
    %add3A_9 = arith.addf %dot_general3A_5, %add3A : vector<256x1024xf32>
    %mul3A = arith.constant 1024 : i32
    %mul3A_10 = arith.muli %arg0, %mul3A : i32
    %swap3A = arith.constant 0 : index
    %swap3A_11 = arith.index_cast %mul3A_10 : i32 to index
    %swap3A_12 = vector.load %arg9[%swap3A, %swap3A_11] : memref<256x8192xf32, #tpu.memory_space<vmem>>, vector<256x1024xf32>
    tpu.vector_store %arg9[%swap3A, %swap3A_11], %add3A_9 {strides = array<i32>} : memref<256x8192xf32, #tpu.memory_space<vmem>>, vector<256x1024xf32>,
    %eq3A = arith.constant 0 : i32
    %eq3A_13 = arith.cmpi eq, %arg0, %eq3A : i32
    %convert_element_type3A = arith.extui %eq3A_13 : i1 to i32
    %cond3A = arith.constant 0 : i32
    %cond3A_14 = arith.cmpi ne, %convert_element_type3A, %cond3A : i32
    scf.if %cond3A_14 {
      %get3A_20 = arith.constant 0 : index
      %get3A_21 = arith.constant 0 : index
      %get3A_22 = vector.load %arg4[%get3A_20, %get3A_21] : memref<768x304xf32, #tpu.memory_space<vmem>>, vector<768x304xf32>
      %dot_general3A_23 = arith.constant dense<0.000000e+00> : vector<256x304xf32>
      %dot_general3A_24 = tpu.matmul %get3A_1, %get3A_22, %dot_general3A_23 {dimension_numbers = #tpu.dot_dimension_numbers<[1], [0], [0], [1], [0, 0, 1, 1], [], []>, transpose_lhs_hint = false} : vector<256x768xf32>, vector<768x304xf32>, vector<256x304xf32> -> vector<256x304xf32>
      %get3A_25 = arith.constant 0 : index
      %get3A_26 = arith.constant 0 : index
      %get3A_27 = vector.load %arg5[%get3A_25, %get3A_26] : memref<1x304xf32, #tpu.memory_space<vmem>>, vector<1x304xf32>
      %add3A_28 = vector.broadcast %get3A_27 : vector<1x304xf32> to vector<256x304xf32>
      %add3A_29 = arith.addf %dot_general3A_24, %add3A_28 : vector<256x304xf32>
      %swap3A_30 = arith.constant 0 : index
      %swap3A_31 = arith.constant 0 : index
      %swap3A_32 = vector.load %arg8[%swap3A_30, %swap3A_31] : memref<256x304xf32, #tpu.memory_space<vmem>>, vector<256x304xf32>
      tpu.vector_store %arg8[%swap3A_30, %swap3A_31], %add3A_29 {strides = array<i32>} : memref<256x304xf32, #tpu.memory_space<vmem>>, vector<256x304xf32>,
    } else {
    }
    %eq3A_15 = arith.constant 7 : i32
    %eq3A_16 = arith.cmpi eq, %arg0, %eq3A_15 : i32
    %convert_element_type3A_17 = arith.extui %eq3A_16 : i1 to i32
    %cond3A_18 = arith.constant 0 : i32
    %cond3A_19 = arith.cmpi ne, %convert_element_type3A_17, %cond3A_18 : i32
    scf.if %cond3A_19 {
      %iota3A = tpu.iota {dimensions = array<i32: 1>} : vector<256x8192xi32>
      %iota3A_20 = tpu.iota {dimensions = array<i32: 1>} : vector<1x16xi32>
      %broadcast_in_dim3A = arith.constant 0.000000e+00 : f32
      %broadcast_in_dim3A_21 = vector.broadcast %broadcast_in_dim3A : f32 to vector<256x16xf32>
      %broadcast_in_dim3A_22 = arith.constant 0 : i32
      %broadcast_in_dim3A_23 = vector.broadcast %broadcast_in_dim3A_22 : i32 to vector<256x16xi32>
      %scan3A = arith.constant 0 : i32
      %scan3A_24 = arith.constant 10 : i32
      %scan3A_25 = arith.addi %scan3A, %scan3A_24 : i32
      %scan3A_26 = arith.constant 1 : i32
      %scan3A_27:2 = scf.for %scan3A_35 = %scan3A to %scan3A_25 step %scan3A_26 iter_args(%scan3A_36 = %broadcast_in_dim3A_21, %scan3A_37 = %broadcast_in_dim3A_23) -> (vector<256x16xf32>, vector<256x16xi32>)  : i32 {
        %get3A_38 = arith.constant 0 : index
        %get3A_39 = arith.constant 0 : index
        %get3A_40 = vector.load %arg9[%get3A_38, %get3A_39] : memref<256x8192xf32, #tpu.memory_space<vmem>>, vector<256x8192xf32>
        %reduce_max3A = arith.constant dense<0xFF800000> : vector<256xf32>
        %reduce_max3A_41 = vector.multi_reduction <maximumf>, %get3A_40, %reduce_max3A [1] : vector<256x8192xf32> to vector<256xf32>
        %broadcast_in_dim3A_42 = vector.shape_cast %reduce_max3A_41 : vector<256xf32> to vector<256x1xf32>
        %ge3A = vector.broadcast %broadcast_in_dim3A_42 : vector<256x1xf32> to vector<256x8192xf32>
        %ge3A_43 = arith.cmpf oge, %get3A_40, %ge3A : vector<256x8192xf32>
        %jit3A = arith.constant 8192 : i32
        %broadcast_in_dim3A_44 = vector.broadcast %jit3A : i32 to vector<256x8192xi32>
        %select_n3A = arith.select %ge3A_43, %iota3A, %broadcast_in_dim3A_44 : vector<256x8192xi1>, vector<256x8192xi32>
        %reduce_min3A = arith.constant dense<2147483647> : vector<256xi32>
        %reduce_min3A_45 = vector.multi_reduction <minsi>, %select_n3A, %reduce_min3A [1] : vector<256x8192xi32> to vector<256xi32>
        %broadcast_in_dim3A_46 = vector.shape_cast %reduce_min3A_45 : vector<256xi32> to vector<256x1xi32>
        %eq3A_47 = vector.broadcast %broadcast_in_dim3A_46 : vector<256x1xi32> to vector<256x8192xi32>
        %eq3A_48 = arith.cmpi eq, %iota3A, %eq3A_47 : vector<256x8192xi32>
        %jit3A_49 = arith.constant 0xFF800000 : f32
        %broadcast_in_dim3A_50 = vector.broadcast %jit3A_49 : f32 to vector<256x8192xf32>
        %select_n3A_51 = arith.select %eq3A_48, %broadcast_in_dim3A_50, %get3A_40 : vector<256x8192xi1>, vector<256x8192xf32>
        %swap3A_52 = arith.constant 0 : index
        %swap3A_53 = arith.constant 0 : index
        %swap3A_54 = vector.load %arg9[%swap3A_52, %swap3A_53] : memref<256x8192xf32, #tpu.memory_space<vmem>>, vector<256x8192xf32>
        tpu.vector_store %arg9[%swap3A_52, %swap3A_53], %select_n3A_51 {strides = array<i32>} : memref<256x8192xf32, #tpu.memory_space<vmem>>, vector<256x8192xf32>,
        %eq3A_55 = vector.broadcast %scan3A_35 : i32 to vector<1x16xi32>
        %eq3A_56 = arith.cmpi eq, %iota3A_20, %eq3A_55 : vector<1x16xi32>
        %broadcast_in_dim3A_57 = vector.shape_cast %eq3A_56 : vector<1x16xi1> to vector<1x16xi1>
        %broadcast_in_dim3A_58 = vector.broadcast %broadcast_in_dim3A_57 : vector<1x16xi1> to vector<256x16xi1>
        %broadcast_in_dim3A_59 = vector.shape_cast %broadcast_in_dim3A_42 : vector<256x1xf32> to vector<256x1xf32>
        %broadcast_in_dim3A_60 = vector.broadcast %broadcast_in_dim3A_59 : vector<256x1xf32> to vector<256x16xf32>
        %select_n3A_61 = arith.select %broadcast_in_dim3A_58, %broadcast_in_dim3A_60, %scan3A_36 : vector<256x16xi1>, vector<256x16xf32>
        %eq3A_62 = vector.broadcast %scan3A_35 : i32 to vector<1x16xi32>
        %eq3A_63 = arith.cmpi eq, %iota3A_20, %eq3A_62 : vector<1x16xi32>
        %broadcast_in_dim3A_64 = vector.shape_cast %eq3A_63 : vector<1x16xi1> to vector<1x16xi1>
        %broadcast_in_dim3A_65 = vector.broadcast %broadcast_in_dim3A_64 : vector<1x16xi1> to vector<256x16xi1>
        %broadcast_in_dim3A_66 = vector.shape_cast %broadcast_in_dim3A_46 : vector<256x1xi32> to vector<256x1xi32>
        %broadcast_in_dim3A_67 = vector.broadcast %broadcast_in_dim3A_66 : vector<256x1xi32> to vector<256x16xi32>
        %select_n3A_68 = arith.select %broadcast_in_dim3A_65, %broadcast_in_dim3A_67, %scan3A_37 : vector<256x16xi1>, vector<256x16xi32>
        scf.yield %select_n3A_61, %select_n3A_68 : vector<256x16xf32>, vector<256x16xi32>
      }
      %scan3A_28 = arith.constant 10 : i32
      %swap3A_29 = arith.constant 0 : index
      %swap3A_30 = arith.constant 0 : index
      %swap3A_31 = vector.load %arg6[%swap3A_29, %swap3A_30] : memref<256x16xf32, #tpu.memory_space<vmem>>, vector<256x16xf32>
      tpu.vector_store %arg6[%swap3A_29, %swap3A_30], %scan3A_27#0 {strides = array<i32>} : memref<256x16xf32, #tpu.memory_space<vmem>>, vector<256x16xf32>,
      %swap3A_32 = arith.constant 0 : index
      %swap3A_33 = arith.constant 0 : index
      %swap3A_34 = vector.load %arg7[%swap3A_32, %swap3A_33] : memref<256x16xi32, #tpu.memory_space<vmem>>, vector<256x16xi32>
      tpu.vector_store %arg7[%swap3A_32, %swap3A_33], %scan3A_27#1 {strides = array<i32>} : memref<256x16xi32, #tpu.memory_space<vmem>>, vector<256x16xi32>,
    } else {
    }
    return
  }
  func.func @transform_0(%arg0: i32) -> (i32, i32) {
    %c0_i32 = arith.constant 0 : i32
    %c0_i32_0 = arith.constant 0 : i32
    %c0_i32_1 = arith.constant 0 : i32
    return %c0_i32, %c0_i32_0 : i32, i32
  }
  func.func @transform_1(%arg0: i32) -> (i32, i32) {
    %c0_i32 = arith.constant 0 : i32
    %c0_i32_0 = arith.constant 0 : i32
    return %c0_i32, %arg0 : i32, i32
  }
  func.func @transform_2(%arg0: i32) -> (i32, i32) {
    %c0_i32 = arith.constant 0 : i32
    %c0_i32_0 = arith.constant 0 : i32
    return %c0_i32, %arg0 : i32, i32
  }
  func.func @transform_3(%arg0: i32) -> (i32, i32) {
    %c0_i32 = arith.constant 0 : i32
    %c0_i32_0 = arith.constant 0 : i32
    %c0_i32_1 = arith.constant 0 : i32
    return %c0_i32, %c0_i32_0 : i32, i32
  }
  func.func @transform_4(%arg0: i32) -> (i32, i32) {
    %c0_i32 = arith.constant 0 : i32
    %c0_i32_0 = arith.constant 0 : i32
    %c0_i32_1 = arith.constant 0 : i32
    return %c0_i32, %c0_i32_0 : i32, i32
  }
  func.func @transform_5(%arg0: i32) -> (i32, i32) {
    %c0_i32 = arith.constant 0 : i32
    %c0_i32_0 = arith.constant 0 : i32
    %c0_i32_1 = arith.constant 0 : i32
    return %c0_i32, %c0_i32_0 : i32, i32
  }
  func.func @transform_6(%arg0: i32) -> (i32, i32) {
    %c0_i32 = arith.constant 0 : i32
    %c0_i32_0 = arith.constant 0 : i32
    %c0_i32_1 = arith.constant 0 : i32
    return %c0_i32, %c0_i32_0 : i32, i32
  }
  func.func @transform_7(%arg0: i32) -> (i32, i32) {
    %c0_i32 = arith.constant 0 : i32
    %c0_i32_0 = arith.constant 0 : i32
    %c0_i32_1 = arith.constant 0 : i32
    return %c0_i32, %c0_i32_0 : i32, i32
  }
}

module attributes {stable_mosaic.version = 14 : i64} {
  func.func @_rescore_body(%arg0: i32, %arg1: memref<256x304xf32, #tpu.memory_space<vmem>>, %arg2: memref<4096x300xf32, #tpu.memory_space<vmem>>, %arg3: memref<256x32x128xf32, #tpu.memory_space<vmem>>) attributes {dimension_semantics = [#tpu.dimension_semantics<arbitrary>], iteration_bounds = array<i64: 32>, scalar_prefetch = 0 : i64, scratch_operands = 0 : i64, tpu.core_type = #tpu.core_type<tc>, window_params = [{pipeline_mode = #tpu.pipeline_mode<synchronous>, transform_indices = @transform_0, window_bounds = array<i64: 256, 304>}, {transform_indices = @transform_1, window_bounds = array<i64: 4096, 300>}, {transform_indices = @transform_2, window_bounds = array<i64: 256, 32, 128>}]} {
    %get3A = arith.constant 0 : index
    %get3A_0 = arith.constant 0 : index
    %get3A_1 = vector.load %arg1[%get3A, %get3A_0] : memref<256x304xf32, #tpu.memory_space<vmem>>, vector<256x304xf32>
    %slice3A = vector.extract_strided_slice %get3A_1 {offsets = [0, 0], sizes = [256, 300], strides = [1, 1]} : vector<256x304xf32> to vector<256x300xf32>
    %convert_element_type3A = arith.truncf %slice3A : vector<256x300xf32> to vector<256x300xbf16>
    %get3A_2 = arith.constant 0 : index
    %get3A_3 = arith.constant 0 : index
    %get3A_4 = vector.load %arg2[%get3A_2, %get3A_3] : memref<4096x300xf32, #tpu.memory_space<vmem>>, vector<4096x300xf32>
    %convert_element_type3A_5 = arith.truncf %get3A_4 : vector<4096x300xf32> to vector<4096x300xbf16>
    %dot_general3A = arith.constant dense<0.000000e+00> : vector<256x4096xf32>
    %dot_general3A_6 = tpu.matmul %convert_element_type3A, %convert_element_type3A_5, %dot_general3A {dimension_numbers = #tpu.dot_dimension_numbers<[1], [1], [0], [0], [0, 0, 1, 0], [], []>, transpose_lhs_hint = false} : vector<256x300xbf16>, vector<4096x300xbf16>, vector<256x4096xf32> -> vector<256x4096xf32>
    %slice3A_7 = vector.extract_strided_slice %dot_general3A_6 {offsets = [0, 0], sizes = [256, 128], strides = [1, 1]} : vector<256x4096xf32> to vector<256x128xf32>
    %swap3A = arith.constant 0 : index
    %swap3A_8 = arith.constant 0 : index
    %swap3A_9 = arith.constant 0 : index
    %swap3A_10 = vector.load %arg3[%swap3A, %swap3A_8, %swap3A_9] : memref<256x32x128xf32, #tpu.memory_space<vmem>>, vector<256x1x128xf32>
    %swap3A_11 = vector.shape_cast %swap3A_10 : vector<256x1x128xf32> to vector<256x128xf32>
    %swap3A_12 = vector.shape_cast %slice3A_7 : vector<256x128xf32> to vector<256x1x128xf32>
    tpu.vector_store %arg3[%swap3A, %swap3A_8, %swap3A_9], %swap3A_12 {strides = array<i32>} : memref<256x32x128xf32, #tpu.memory_space<vmem>>, vector<256x1x128xf32>,
    %slice3A_13 = vector.extract_strided_slice %dot_general3A_6 {offsets = [0, 128], sizes = [256, 128], strides = [1, 1]} : vector<256x4096xf32> to vector<256x128xf32>
    %swap3A_14 = arith.constant 0 : index
    %swap3A_15 = arith.constant 1 : index
    %swap3A_16 = arith.constant 0 : index
    %swap3A_17 = vector.load %arg3[%swap3A_14, %swap3A_15, %swap3A_16] : memref<256x32x128xf32, #tpu.memory_space<vmem>>, vector<256x1x128xf32>
    %swap3A_18 = vector.shape_cast %swap3A_17 : vector<256x1x128xf32> to vector<256x128xf32>
    %swap3A_19 = vector.shape_cast %slice3A_13 : vector<256x128xf32> to vector<256x1x128xf32>
    tpu.vector_store %arg3[%swap3A_14, %swap3A_15, %swap3A_16], %swap3A_19 {strides = array<i32>} : memref<256x32x128xf32, #tpu.memory_space<vmem>>, vector<256x1x128xf32>,
    %slice3A_20 = vector.extract_strided_slice %dot_general3A_6 {offsets = [0, 256], sizes = [256, 128], strides = [1, 1]} : vector<256x4096xf32> to vector<256x128xf32>
    %swap3A_21 = arith.constant 0 : index
    %swap3A_22 = arith.constant 2 : index
    %swap3A_23 = arith.constant 0 : index
    %swap3A_24 = vector.load %arg3[%swap3A_21, %swap3A_22, %swap3A_23] : memref<256x32x128xf32, #tpu.memory_space<vmem>>, vector<256x1x128xf32>
    %swap3A_25 = vector.shape_cast %swap3A_24 : vector<256x1x128xf32> to vector<256x128xf32>
    %swap3A_26 = vector.shape_cast %slice3A_20 : vector<256x128xf32> to vector<256x1x128xf32>
    tpu.vector_store %arg3[%swap3A_21, %swap3A_22, %swap3A_23], %swap3A_26 {strides = array<i32>} : memref<256x32x128xf32, #tpu.memory_space<vmem>>, vector<256x1x128xf32>,
    %slice3A_27 = vector.extract_strided_slice %dot_general3A_6 {offsets = [0, 384], sizes = [256, 128], strides = [1, 1]} : vector<256x4096xf32> to vector<256x128xf32>
    %swap3A_28 = arith.constant 0 : index
    %swap3A_29 = arith.constant 3 : index
    %swap3A_30 = arith.constant 0 : index
    %swap3A_31 = vector.load %arg3[%swap3A_28, %swap3A_29, %swap3A_30] : memref<256x32x128xf32, #tpu.memory_space<vmem>>, vector<256x1x128xf32>
    %swap3A_32 = vector.shape_cast %swap3A_31 : vector<256x1x128xf32> to vector<256x128xf32>
    %swap3A_33 = vector.shape_cast %slice3A_27 : vector<256x128xf32> to vector<256x1x128xf32>
    tpu.vector_store %arg3[%swap3A_28, %swap3A_29, %swap3A_30], %swap3A_33 {strides = array<i32>} : memref<256x32x128xf32, #tpu.memory_space<vmem>>, vector<256x1x128xf32>,
    %slice3A_34 = vector.extract_strided_slice %dot_general3A_6 {offsets = [0, 512], sizes = [256, 128], strides = [1, 1]} : vector<256x4096xf32> to vector<256x128xf32>
    %swap3A_35 = arith.constant 0 : index
    %swap3A_36 = arith.constant 4 : index
    %swap3A_37 = arith.constant 0 : index
    %swap3A_38 = vector.load %arg3[%swap3A_35, %swap3A_36, %swap3A_37] : memref<256x32x128xf32, #tpu.memory_space<vmem>>, vector<256x1x128xf32>
    %swap3A_39 = vector.shape_cast %swap3A_38 : vector<256x1x128xf32> to vector<256x128xf32>
    %swap3A_40 = vector.shape_cast %slice3A_34 : vector<256x128xf32> to vector<256x1x128xf32>
    tpu.vector_store %arg3[%swap3A_35, %swap3A_36, %swap3A_37], %swap3A_40 {strides = array<i32>} : memref<256x32x128xf32, #tpu.memory_space<vmem>>, vector<256x1x128xf32>,
    %slice3A_41 = vector.extract_strided_slice %dot_general3A_6 {offsets = [0, 640], sizes = [256, 128], strides = [1, 1]} : vector<256x4096xf32> to vector<256x128xf32>
    %swap3A_42 = arith.constant 0 : index
    %swap3A_43 = arith.constant 5 : index
    %swap3A_44 = arith.constant 0 : index
    %swap3A_45 = vector.load %arg3[%swap3A_42, %swap3A_43, %swap3A_44] : memref<256x32x128xf32, #tpu.memory_space<vmem>>, vector<256x1x128xf32>
    %swap3A_46 = vector.shape_cast %swap3A_45 : vector<256x1x128xf32> to vector<256x128xf32>
    %swap3A_47 = vector.shape_cast %slice3A_41 : vector<256x128xf32> to vector<256x1x128xf32>
    tpu.vector_store %arg3[%swap3A_42, %swap3A_43, %swap3A_44], %swap3A_47 {strides = array<i32>} : memref<256x32x128xf32, #tpu.memory_space<vmem>>, vector<256x1x128xf32>,
    %slice3A_48 = vector.extract_strided_slice %dot_general3A_6 {offsets = [0, 768], sizes = [256, 128], strides = [1, 1]} : vector<256x4096xf32> to vector<256x128xf32>
    %swap3A_49 = arith.constant 0 : index
    %swap3A_50 = arith.constant 6 : index
    %swap3A_51 = arith.constant 0 : index
    %swap3A_52 = vector.load %arg3[%swap3A_49, %swap3A_50, %swap3A_51] : memref<256x32x128xf32, #tpu.memory_space<vmem>>, vector<256x1x128xf32>
    %swap3A_53 = vector.shape_cast %swap3A_52 : vector<256x1x128xf32> to vector<256x128xf32>
    %swap3A_54 = vector.shape_cast %slice3A_48 : vector<256x128xf32> to vector<256x1x128xf32>
    tpu.vector_store %arg3[%swap3A_49, %swap3A_50, %swap3A_51], %swap3A_54 {strides = array<i32>} : memref<256x32x128xf32, #tpu.memory_space<vmem>>, vector<256x1x128xf32>,
    %slice3A_55 = vector.extract_strided_slice %dot_general3A_6 {offsets = [0, 896], sizes = [256, 128], strides = [1, 1]} : vector<256x4096xf32> to vector<256x128xf32>
    %swap3A_56 = arith.constant 0 : index
    %swap3A_57 = arith.constant 7 : index
    %swap3A_58 = arith.constant 0 : index
    %swap3A_59 = vector.load %arg3[%swap3A_56, %swap3A_57, %swap3A_58] : memref<256x32x128xf32, #tpu.memory_space<vmem>>, vector<256x1x128xf32>
    %swap3A_60 = vector.shape_cast %swap3A_59 : vector<256x1x128xf32> to vector<256x128xf32>
    %swap3A_61 = vector.shape_cast %slice3A_55 : vector<256x128xf32> to vector<256x1x128xf32>
    tpu.vector_store %arg3[%swap3A_56, %swap3A_57, %swap3A_58], %swap3A_61 {strides = array<i32>} : memref<256x32x128xf32, #tpu.memory_space<vmem>>, vector<256x1x128xf32>,
    %slice3A_62 = vector.extract_strided_slice %dot_general3A_6 {offsets = [0, 1024], sizes = [256, 128], strides = [1, 1]} : vector<256x4096xf32> to vector<256x128xf32>
    %swap3A_63 = arith.constant 0 : index
    %swap3A_64 = arith.constant 8 : index
    %swap3A_65 = arith.constant 0 : index
    %swap3A_66 = vector.load %arg3[%swap3A_63, %swap3A_64, %swap3A_65] : memref<256x32x128xf32, #tpu.memory_space<vmem>>, vector<256x1x128xf32>
    %swap3A_67 = vector.shape_cast %swap3A_66 : vector<256x1x128xf32> to vector<256x128xf32>
    %swap3A_68 = vector.shape_cast %slice3A_62 : vector<256x128xf32> to vector<256x1x128xf32>
    tpu.vector_store %arg3[%swap3A_63, %swap3A_64, %swap3A_65], %swap3A_68 {strides = array<i32>} : memref<256x32x128xf32, #tpu.memory_space<vmem>>, vector<256x1x128xf32>,
    %slice3A_69 = vector.extract_strided_slice %dot_general3A_6 {offsets = [0, 1152], sizes = [256, 128], strides = [1, 1]} : vector<256x4096xf32> to vector<256x128xf32>
    %swap3A_70 = arith.constant 0 : index
    %swap3A_71 = arith.constant 9 : index
    %swap3A_72 = arith.constant 0 : index
    %swap3A_73 = vector.load %arg3[%swap3A_70, %swap3A_71, %swap3A_72] : memref<256x32x128xf32, #tpu.memory_space<vmem>>, vector<256x1x128xf32>
    %swap3A_74 = vector.shape_cast %swap3A_73 : vector<256x1x128xf32> to vector<256x128xf32>
    %swap3A_75 = vector.shape_cast %slice3A_69 : vector<256x128xf32> to vector<256x1x128xf32>
    tpu.vector_store %arg3[%swap3A_70, %swap3A_71, %swap3A_72], %swap3A_75 {strides = array<i32>} : memref<256x32x128xf32, #tpu.memory_space<vmem>>, vector<256x1x128xf32>,
    %slice3A_76 = vector.extract_strided_slice %dot_general3A_6 {offsets = [0, 1280], sizes = [256, 128], strides = [1, 1]} : vector<256x4096xf32> to vector<256x128xf32>
    %swap3A_77 = arith.constant 0 : index
    %swap3A_78 = arith.constant 10 : index
    %swap3A_79 = arith.constant 0 : index
    %swap3A_80 = vector.load %arg3[%swap3A_77, %swap3A_78, %swap3A_79] : memref<256x32x128xf32, #tpu.memory_space<vmem>>, vector<256x1x128xf32>
    %swap3A_81 = vector.shape_cast %swap3A_80 : vector<256x1x128xf32> to vector<256x128xf32>
    %swap3A_82 = vector.shape_cast %slice3A_76 : vector<256x128xf32> to vector<256x1x128xf32>
    tpu.vector_store %arg3[%swap3A_77, %swap3A_78, %swap3A_79], %swap3A_82 {strides = array<i32>} : memref<256x32x128xf32, #tpu.memory_space<vmem>>, vector<256x1x128xf32>,
    %slice3A_83 = vector.extract_strided_slice %dot_general3A_6 {offsets = [0, 1408], sizes = [256, 128], strides = [1, 1]} : vector<256x4096xf32> to vector<256x128xf32>
    %swap3A_84 = arith.constant 0 : index
    %swap3A_85 = arith.constant 11 : index
    %swap3A_86 = arith.constant 0 : index
    %swap3A_87 = vector.load %arg3[%swap3A_84, %swap3A_85, %swap3A_86] : memref<256x32x128xf32, #tpu.memory_space<vmem>>, vector<256x1x128xf32>
    %swap3A_88 = vector.shape_cast %swap3A_87 : vector<256x1x128xf32> to vector<256x128xf32>
    %swap3A_89 = vector.shape_cast %slice3A_83 : vector<256x128xf32> to vector<256x1x128xf32>
    tpu.vector_store %arg3[%swap3A_84, %swap3A_85, %swap3A_86], %swap3A_89 {strides = array<i32>} : memref<256x32x128xf32, #tpu.memory_space<vmem>>, vector<256x1x128xf32>,
    %slice3A_90 = vector.extract_strided_slice %dot_general3A_6 {offsets = [0, 1536], sizes = [256, 128], strides = [1, 1]} : vector<256x4096xf32> to vector<256x128xf32>
    %swap3A_91 = arith.constant 0 : index
    %swap3A_92 = arith.constant 12 : index
    %swap3A_93 = arith.constant 0 : index
    %swap3A_94 = vector.load %arg3[%swap3A_91, %swap3A_92, %swap3A_93] : memref<256x32x128xf32, #tpu.memory_space<vmem>>, vector<256x1x128xf32>
    %swap3A_95 = vector.shape_cast %swap3A_94 : vector<256x1x128xf32> to vector<256x128xf32>
    %swap3A_96 = vector.shape_cast %slice3A_90 : vector<256x128xf32> to vector<256x1x128xf32>
    tpu.vector_store %arg3[%swap3A_91, %swap3A_92, %swap3A_93], %swap3A_96 {strides = array<i32>} : memref<256x32x128xf32, #tpu.memory_space<vmem>>, vector<256x1x128xf32>,
    %slice3A_97 = vector.extract_strided_slice %dot_general3A_6 {offsets = [0, 1664], sizes = [256, 128], strides = [1, 1]} : vector<256x4096xf32> to vector<256x128xf32>
    %swap3A_98 = arith.constant 0 : index
    %swap3A_99 = arith.constant 13 : index
    %swap3A_100 = arith.constant 0 : index
    %swap3A_101 = vector.load %arg3[%swap3A_98, %swap3A_99, %swap3A_100] : memref<256x32x128xf32, #tpu.memory_space<vmem>>, vector<256x1x128xf32>
    %swap3A_102 = vector.shape_cast %swap3A_101 : vector<256x1x128xf32> to vector<256x128xf32>
    %swap3A_103 = vector.shape_cast %slice3A_97 : vector<256x128xf32> to vector<256x1x128xf32>
    tpu.vector_store %arg3[%swap3A_98, %swap3A_99, %swap3A_100], %swap3A_103 {strides = array<i32>} : memref<256x32x128xf32, #tpu.memory_space<vmem>>, vector<256x1x128xf32>,
    %slice3A_104 = vector.extract_strided_slice %dot_general3A_6 {offsets = [0, 1792], sizes = [256, 128], strides = [1, 1]} : vector<256x4096xf32> to vector<256x128xf32>
    %swap3A_105 = arith.constant 0 : index
    %swap3A_106 = arith.constant 14 : index
    %swap3A_107 = arith.constant 0 : index
    %swap3A_108 = vector.load %arg3[%swap3A_105, %swap3A_106, %swap3A_107] : memref<256x32x128xf32, #tpu.memory_space<vmem>>, vector<256x1x128xf32>
    %swap3A_109 = vector.shape_cast %swap3A_108 : vector<256x1x128xf32> to vector<256x128xf32>
    %swap3A_110 = vector.shape_cast %slice3A_104 : vector<256x128xf32> to vector<256x1x128xf32>
    tpu.vector_store %arg3[%swap3A_105, %swap3A_106, %swap3A_107], %swap3A_110 {strides = array<i32>} : memref<256x32x128xf32, #tpu.memory_space<vmem>>, vector<256x1x128xf32>,
    %slice3A_111 = vector.extract_strided_slice %dot_general3A_6 {offsets = [0, 1920], sizes = [256, 128], strides = [1, 1]} : vector<256x4096xf32> to vector<256x128xf32>
    %swap3A_112 = arith.constant 0 : index
    %swap3A_113 = arith.constant 15 : index
    %swap3A_114 = arith.constant 0 : index
    %swap3A_115 = vector.load %arg3[%swap3A_112, %swap3A_113, %swap3A_114] : memref<256x32x128xf32, #tpu.memory_space<vmem>>, vector<256x1x128xf32>
    %swap3A_116 = vector.shape_cast %swap3A_115 : vector<256x1x128xf32> to vector<256x128xf32>
    %swap3A_117 = vector.shape_cast %slice3A_111 : vector<256x128xf32> to vector<256x1x128xf32>
    tpu.vector_store %arg3[%swap3A_112, %swap3A_113, %swap3A_114], %swap3A_117 {strides = array<i32>} : memref<256x32x128xf32, #tpu.memory_space<vmem>>, vector<256x1x128xf32>,
    %slice3A_118 = vector.extract_strided_slice %dot_general3A_6 {offsets = [0, 2048], sizes = [256, 128], strides = [1, 1]} : vector<256x4096xf32> to vector<256x128xf32>
    %swap3A_119 = arith.constant 0 : index
    %swap3A_120 = arith.constant 16 : index
    %swap3A_121 = arith.constant 0 : index
    %swap3A_122 = vector.load %arg3[%swap3A_119, %swap3A_120, %swap3A_121] : memref<256x32x128xf32, #tpu.memory_space<vmem>>, vector<256x1x128xf32>
    %swap3A_123 = vector.shape_cast %swap3A_122 : vector<256x1x128xf32> to vector<256x128xf32>
    %swap3A_124 = vector.shape_cast %slice3A_118 : vector<256x128xf32> to vector<256x1x128xf32>
    tpu.vector_store %arg3[%swap3A_119, %swap3A_120, %swap3A_121], %swap3A_124 {strides = array<i32>} : memref<256x32x128xf32, #tpu.memory_space<vmem>>, vector<256x1x128xf32>,
    %slice3A_125 = vector.extract_strided_slice %dot_general3A_6 {offsets = [0, 2176], sizes = [256, 128], strides = [1, 1]} : vector<256x4096xf32> to vector<256x128xf32>
    %swap3A_126 = arith.constant 0 : index
    %swap3A_127 = arith.constant 17 : index
    %swap3A_128 = arith.constant 0 : index
    %swap3A_129 = vector.load %arg3[%swap3A_126, %swap3A_127, %swap3A_128] : memref<256x32x128xf32, #tpu.memory_space<vmem>>, vector<256x1x128xf32>
    %swap3A_130 = vector.shape_cast %swap3A_129 : vector<256x1x128xf32> to vector<256x128xf32>
    %swap3A_131 = vector.shape_cast %slice3A_125 : vector<256x128xf32> to vector<256x1x128xf32>
    tpu.vector_store %arg3[%swap3A_126, %swap3A_127, %swap3A_128], %swap3A_131 {strides = array<i32>} : memref<256x32x128xf32, #tpu.memory_space<vmem>>, vector<256x1x128xf32>,
    %slice3A_132 = vector.extract_strided_slice %dot_general3A_6 {offsets = [0, 2304], sizes = [256, 128], strides = [1, 1]} : vector<256x4096xf32> to vector<256x128xf32>
    %swap3A_133 = arith.constant 0 : index
    %swap3A_134 = arith.constant 18 : index
    %swap3A_135 = arith.constant 0 : index
    %swap3A_136 = vector.load %arg3[%swap3A_133, %swap3A_134, %swap3A_135] : memref<256x32x128xf32, #tpu.memory_space<vmem>>, vector<256x1x128xf32>
    %swap3A_137 = vector.shape_cast %swap3A_136 : vector<256x1x128xf32> to vector<256x128xf32>
    %swap3A_138 = vector.shape_cast %slice3A_132 : vector<256x128xf32> to vector<256x1x128xf32>
    tpu.vector_store %arg3[%swap3A_133, %swap3A_134, %swap3A_135], %swap3A_138 {strides = array<i32>} : memref<256x32x128xf32, #tpu.memory_space<vmem>>, vector<256x1x128xf32>,
    %slice3A_139 = vector.extract_strided_slice %dot_general3A_6 {offsets = [0, 2432], sizes = [256, 128], strides = [1, 1]} : vector<256x4096xf32> to vector<256x128xf32>
    %swap3A_140 = arith.constant 0 : index
    %swap3A_141 = arith.constant 19 : index
    %swap3A_142 = arith.constant 0 : index
    %swap3A_143 = vector.load %arg3[%swap3A_140, %swap3A_141, %swap3A_142] : memref<256x32x128xf32, #tpu.memory_space<vmem>>, vector<256x1x128xf32>
    %swap3A_144 = vector.shape_cast %swap3A_143 : vector<256x1x128xf32> to vector<256x128xf32>
    %swap3A_145 = vector.shape_cast %slice3A_139 : vector<256x128xf32> to vector<256x1x128xf32>
    tpu.vector_store %arg3[%swap3A_140, %swap3A_141, %swap3A_142], %swap3A_145 {strides = array<i32>} : memref<256x32x128xf32, #tpu.memory_space<vmem>>, vector<256x1x128xf32>,
    %slice3A_146 = vector.extract_strided_slice %dot_general3A_6 {offsets = [0, 2560], sizes = [256, 128], strides = [1, 1]} : vector<256x4096xf32> to vector<256x128xf32>
    %swap3A_147 = arith.constant 0 : index
    %swap3A_148 = arith.constant 20 : index
    %swap3A_149 = arith.constant 0 : index
    %swap3A_150 = vector.load %arg3[%swap3A_147, %swap3A_148, %swap3A_149] : memref<256x32x128xf32, #tpu.memory_space<vmem>>, vector<256x1x128xf32>
    %swap3A_151 = vector.shape_cast %swap3A_150 : vector<256x1x128xf32> to vector<256x128xf32>
    %swap3A_152 = vector.shape_cast %slice3A_146 : vector<256x128xf32> to vector<256x1x128xf32>
    tpu.vector_store %arg3[%swap3A_147, %swap3A_148, %swap3A_149], %swap3A_152 {strides = array<i32>} : memref<256x32x128xf32, #tpu.memory_space<vmem>>, vector<256x1x128xf32>,
    %slice3A_153 = vector.extract_strided_slice %dot_general3A_6 {offsets = [0, 2688], sizes = [256, 128], strides = [1, 1]} : vector<256x4096xf32> to vector<256x128xf32>
    %swap3A_154 = arith.constant 0 : index
    %swap3A_155 = arith.constant 21 : index
    %swap3A_156 = arith.constant 0 : index
    %swap3A_157 = vector.load %arg3[%swap3A_154, %swap3A_155, %swap3A_156] : memref<256x32x128xf32, #tpu.memory_space<vmem>>, vector<256x1x128xf32>
    %swap3A_158 = vector.shape_cast %swap3A_157 : vector<256x1x128xf32> to vector<256x128xf32>
    %swap3A_159 = vector.shape_cast %slice3A_153 : vector<256x128xf32> to vector<256x1x128xf32>
    tpu.vector_store %arg3[%swap3A_154, %swap3A_155, %swap3A_156], %swap3A_159 {strides = array<i32>} : memref<256x32x128xf32, #tpu.memory_space<vmem>>, vector<256x1x128xf32>,
    %slice3A_160 = vector.extract_strided_slice %dot_general3A_6 {offsets = [0, 2816], sizes = [256, 128], strides = [1, 1]} : vector<256x4096xf32> to vector<256x128xf32>
    %swap3A_161 = arith.constant 0 : index
    %swap3A_162 = arith.constant 22 : index
    %swap3A_163 = arith.constant 0 : index
    %swap3A_164 = vector.load %arg3[%swap3A_161, %swap3A_162, %swap3A_163] : memref<256x32x128xf32, #tpu.memory_space<vmem>>, vector<256x1x128xf32>
    %swap3A_165 = vector.shape_cast %swap3A_164 : vector<256x1x128xf32> to vector<256x128xf32>
    %swap3A_166 = vector.shape_cast %slice3A_160 : vector<256x128xf32> to vector<256x1x128xf32>
    tpu.vector_store %arg3[%swap3A_161, %swap3A_162, %swap3A_163], %swap3A_166 {strides = array<i32>} : memref<256x32x128xf32, #tpu.memory_space<vmem>>, vector<256x1x128xf32>,
    %slice3A_167 = vector.extract_strided_slice %dot_general3A_6 {offsets = [0, 2944], sizes = [256, 128], strides = [1, 1]} : vector<256x4096xf32> to vector<256x128xf32>
    %swap3A_168 = arith.constant 0 : index
    %swap3A_169 = arith.constant 23 : index
    %swap3A_170 = arith.constant 0 : index
    %swap3A_171 = vector.load %arg3[%swap3A_168, %swap3A_169, %swap3A_170] : memref<256x32x128xf32, #tpu.memory_space<vmem>>, vector<256x1x128xf32>
    %swap3A_172 = vector.shape_cast %swap3A_171 : vector<256x1x128xf32> to vector<256x128xf32>
    %swap3A_173 = vector.shape_cast %slice3A_167 : vector<256x128xf32> to vector<256x1x128xf32>
    tpu.vector_store %arg3[%swap3A_168, %swap3A_169, %swap3A_170], %swap3A_173 {strides = array<i32>} : memref<256x32x128xf32, #tpu.memory_space<vmem>>, vector<256x1x128xf32>,
    %slice3A_174 = vector.extract_strided_slice %dot_general3A_6 {offsets = [0, 3072], sizes = [256, 128], strides = [1, 1]} : vector<256x4096xf32> to vector<256x128xf32>
    %swap3A_175 = arith.constant 0 : index
    %swap3A_176 = arith.constant 24 : index
    %swap3A_177 = arith.constant 0 : index
    %swap3A_178 = vector.load %arg3[%swap3A_175, %swap3A_176, %swap3A_177] : memref<256x32x128xf32, #tpu.memory_space<vmem>>, vector<256x1x128xf32>
    %swap3A_179 = vector.shape_cast %swap3A_178 : vector<256x1x128xf32> to vector<256x128xf32>
    %swap3A_180 = vector.shape_cast %slice3A_174 : vector<256x128xf32> to vector<256x1x128xf32>
    tpu.vector_store %arg3[%swap3A_175, %swap3A_176, %swap3A_177], %swap3A_180 {strides = array<i32>} : memref<256x32x128xf32, #tpu.memory_space<vmem>>, vector<256x1x128xf32>,
    %slice3A_181 = vector.extract_strided_slice %dot_general3A_6 {offsets = [0, 3200], sizes = [256, 128], strides = [1, 1]} : vector<256x4096xf32> to vector<256x128xf32>
    %swap3A_182 = arith.constant 0 : index
    %swap3A_183 = arith.constant 25 : index
    %swap3A_184 = arith.constant 0 : index
    %swap3A_185 = vector.load %arg3[%swap3A_182, %swap3A_183, %swap3A_184] : memref<256x32x128xf32, #tpu.memory_space<vmem>>, vector<256x1x128xf32>
    %swap3A_186 = vector.shape_cast %swap3A_185 : vector<256x1x128xf32> to vector<256x128xf32>
    %swap3A_187 = vector.shape_cast %slice3A_181 : vector<256x128xf32> to vector<256x1x128xf32>
    tpu.vector_store %arg3[%swap3A_182, %swap3A_183, %swap3A_184], %swap3A_187 {strides = array<i32>} : memref<256x32x128xf32, #tpu.memory_space<vmem>>, vector<256x1x128xf32>,
    %slice3A_188 = vector.extract_strided_slice %dot_general3A_6 {offsets = [0, 3328], sizes = [256, 128], strides = [1, 1]} : vector<256x4096xf32> to vector<256x128xf32>
    %swap3A_189 = arith.constant 0 : index
    %swap3A_190 = arith.constant 26 : index
    %swap3A_191 = arith.constant 0 : index
    %swap3A_192 = vector.load %arg3[%swap3A_189, %swap3A_190, %swap3A_191] : memref<256x32x128xf32, #tpu.memory_space<vmem>>, vector<256x1x128xf32>
    %swap3A_193 = vector.shape_cast %swap3A_192 : vector<256x1x128xf32> to vector<256x128xf32>
    %swap3A_194 = vector.shape_cast %slice3A_188 : vector<256x128xf32> to vector<256x1x128xf32>
    tpu.vector_store %arg3[%swap3A_189, %swap3A_190, %swap3A_191], %swap3A_194 {strides = array<i32>} : memref<256x32x128xf32, #tpu.memory_space<vmem>>, vector<256x1x128xf32>,
    %slice3A_195 = vector.extract_strided_slice %dot_general3A_6 {offsets = [0, 3456], sizes = [256, 128], strides = [1, 1]} : vector<256x4096xf32> to vector<256x128xf32>
    %swap3A_196 = arith.constant 0 : index
    %swap3A_197 = arith.constant 27 : index
    %swap3A_198 = arith.constant 0 : index
    %swap3A_199 = vector.load %arg3[%swap3A_196, %swap3A_197, %swap3A_198] : memref<256x32x128xf32, #tpu.memory_space<vmem>>, vector<256x1x128xf32>
    %swap3A_200 = vector.shape_cast %swap3A_199 : vector<256x1x128xf32> to vector<256x128xf32>
    %swap3A_201 = vector.shape_cast %slice3A_195 : vector<256x128xf32> to vector<256x1x128xf32>
    tpu.vector_store %arg3[%swap3A_196, %swap3A_197, %swap3A_198], %swap3A_201 {strides = array<i32>} : memref<256x32x128xf32, #tpu.memory_space<vmem>>, vector<256x1x128xf32>,
    %slice3A_202 = vector.extract_strided_slice %dot_general3A_6 {offsets = [0, 3584], sizes = [256, 128], strides = [1, 1]} : vector<256x4096xf32> to vector<256x128xf32>
    %swap3A_203 = arith.constant 0 : index
    %swap3A_204 = arith.constant 28 : index
    %swap3A_205 = arith.constant 0 : index
    %swap3A_206 = vector.load %arg3[%swap3A_203, %swap3A_204, %swap3A_205] : memref<256x32x128xf32, #tpu.memory_space<vmem>>, vector<256x1x128xf32>
    %swap3A_207 = vector.shape_cast %swap3A_206 : vector<256x1x128xf32> to vector<256x128xf32>
    %swap3A_208 = vector.shape_cast %slice3A_202 : vector<256x128xf32> to vector<256x1x128xf32>
    tpu.vector_store %arg3[%swap3A_203, %swap3A_204, %swap3A_205], %swap3A_208 {strides = array<i32>} : memref<256x32x128xf32, #tpu.memory_space<vmem>>, vector<256x1x128xf32>,
    %slice3A_209 = vector.extract_strided_slice %dot_general3A_6 {offsets = [0, 3712], sizes = [256, 128], strides = [1, 1]} : vector<256x4096xf32> to vector<256x128xf32>
    %swap3A_210 = arith.constant 0 : index
    %swap3A_211 = arith.constant 29 : index
    %swap3A_212 = arith.constant 0 : index
    %swap3A_213 = vector.load %arg3[%swap3A_210, %swap3A_211, %swap3A_212] : memref<256x32x128xf32, #tpu.memory_space<vmem>>, vector<256x1x128xf32>
    %swap3A_214 = vector.shape_cast %swap3A_213 : vector<256x1x128xf32> to vector<256x128xf32>
    %swap3A_215 = vector.shape_cast %slice3A_209 : vector<256x128xf32> to vector<256x1x128xf32>
    tpu.vector_store %arg3[%swap3A_210, %swap3A_211, %swap3A_212], %swap3A_215 {strides = array<i32>} : memref<256x32x128xf32, #tpu.memory_space<vmem>>, vector<256x1x128xf32>,
    %slice3A_216 = vector.extract_strided_slice %dot_general3A_6 {offsets = [0, 3840], sizes = [256, 128], strides = [1, 1]} : vector<256x4096xf32> to vector<256x128xf32>
    %swap3A_217 = arith.constant 0 : index
    %swap3A_218 = arith.constant 30 : index
    %swap3A_219 = arith.constant 0 : index
    %swap3A_220 = vector.load %arg3[%swap3A_217, %swap3A_218, %swap3A_219] : memref<256x32x128xf32, #tpu.memory_space<vmem>>, vector<256x1x128xf32>
    %swap3A_221 = vector.shape_cast %swap3A_220 : vector<256x1x128xf32> to vector<256x128xf32>
    %swap3A_222 = vector.shape_cast %slice3A_216 : vector<256x128xf32> to vector<256x1x128xf32>
    tpu.vector_store %arg3[%swap3A_217, %swap3A_218, %swap3A_219], %swap3A_222 {strides = array<i32>} : memref<256x32x128xf32, #tpu.memory_space<vmem>>, vector<256x1x128xf32>,
    %slice3A_223 = vector.extract_strided_slice %dot_general3A_6 {offsets = [0, 3968], sizes = [256, 128], strides = [1, 1]} : vector<256x4096xf32> to vector<256x128xf32>
    %swap3A_224 = arith.constant 0 : index
    %swap3A_225 = arith.constant 31 : index
    %swap3A_226 = arith.constant 0 : index
    %swap3A_227 = vector.load %arg3[%swap3A_224, %swap3A_225, %swap3A_226] : memref<256x32x128xf32, #tpu.memory_space<vmem>>, vector<256x1x128xf32>
    %swap3A_228 = vector.shape_cast %swap3A_227 : vector<256x1x128xf32> to vector<256x128xf32>
    %swap3A_229 = vector.shape_cast %slice3A_223 : vector<256x128xf32> to vector<256x1x128xf32>
    tpu.vector_store %arg3[%swap3A_224, %swap3A_225, %swap3A_226], %swap3A_229 {strides = array<i32>} : memref<256x32x128xf32, #tpu.memory_space<vmem>>, vector<256x1x128xf32>,
    return
  }
  func.func @transform_0(%arg0: i32) -> (i32, i32) {
    %c0_i32 = arith.constant 0 : i32
    %c0_i32_0 = arith.constant 0 : i32
    %c0_i32_1 = arith.constant 0 : i32
    return %c0_i32, %c0_i32_0 : i32, i32
  }
  func.func @transform_1(%arg0: i32) -> (i32, i32) {
    %c0_i32 = arith.constant 0 : i32
    %c0_i32_0 = arith.constant 0 : i32
    return %arg0, %c0_i32 : i32, i32
  }
  func.func @transform_2(%arg0: i32) -> (i32, i32, i32) {
    %c0_i32 = arith.constant 0 : i32
    %c0_i32_0 = arith.constant 0 : i32
    %c0_i32_1 = arith.constant 0 : i32
    return %c0_i32, %arg0, %c0_i32_0 : i32, i32, i32
  }
}

</mosaic_0001>

<sc_bundles>
// kernel: kernel.5.cloned.1.call-start
scs
__scs_entry_jumppad:
0x0: {  	(pc) =	sbr.rel $0x88, $3  }
0x1: {  	(tag) =	ssettag $0x0;
	lr =	simm.s32 $0x1  }
0x2: {  	[smem:$0x3F9A] =	sst lr;
	_ =	strace $0xD0000000  }
0x3: {  	_ = 	snop  }
0x4: {  	_ = 	snop  }
0x5: {  	_ = 	snop  }
0x6: {  	_ = 	snop  }
0x7: {  	_ = 	snop  }
__scs_overlays_trampoline_lowered:
0x8: {  	[smem:$0x3FA9] =	sst s0  }
0x9: {  	[smem:$0x3FAA] =	sst s1  }
0xa: {  	[smem:$0x3FAB] =	sst s2  }
0xb: {  	[smem:$0x3FAC] =	sst s3  }
0xc: {  	[smem:$0x3FAD] =	sst s4  }
0xd: {  	[smem:$0x3FAE] =	sst s5  }
0xe: {  	[smem:$0x3FAF] =	sst s6  }
0xf: {  	[smem:$0x3FB0] =	sst s7  }
0x10: {  	[smem:$0x3FB1] =	sst s8  }
0x11: {  	[smem:$0x3FB2] =	sst s9;
	s0 =	simm.s32 @!p0 $0x0  }
0x12: {  	s1 =	sld [smem:$0x3F98];
	s0 =	simm.s32 @p0 $0x1  }
0x13: {  	[smem:$0x3FB3] =	sst s0;
	s0 =	simm.s32 @!p1 $0x0  }
0x14: {  	s2 =	sld [smem:$0x3F97];
	s0 =	simm.s32 @p1 $0x1  }
0x15: {  	[smem:$0x3FB4] =	sst s0;
	s0 =	simm.s32 @!p2 $0x0  }
0x16: {  	s3 =	sld [smem:$0x3FDB];
	s0 =	simm.s32 @p2 $0x1  }
0x17: {  	s4 =	simm.s32 $0x1BF5;
	[smem:$0x3FB6] =	sst s0  }
0x18: {  	s0 =	sld [smem:$0x3F99];
	_ =	swait.ge [sflag:s4], $0x0  }
0x19: {  	s7 =	sld [smem:$0x3F9A]  }
0x1a: {  	s8 =	sadd.s32 $0xFFFFE003, lr  }
0x1b: {  	s9 =	sadd.s32 $0xFFFFFEF7, lr;
	s5 =	simm.s32 $0xFFFFFFFF;
	p2 =	slt.u32 s8, $0xFFFFF086  }
0x1c: {  	p1 =	slt.u32 s9, $0xF7A;
	s5 =	simm.s32 @!p2 $0x0  }
0x1d: {  	s5 =	simm.s32 @p1 $0x1;
	p0 =	seq.s32 s7, s2  }
0x1e: {  	s7 =	smul.u32 @!p0 $0xF7A, s2;
	p2 =	seq.s32 @!p0 s5, $0x0  }
0x1f: {  	s9 =	smul.u32 $0xF7A, s1;
	s8 =	simm.s32 @!p0 $0x1BF5;
	p2 =	por !p2, p0  }
0x20: {  	[sflag:s8] =	ssyncset.s32 @!p0 $0xFFFFF086;
	s6 =	sadd.s32 @!p0 s3, s7;
	s7 =	simm.s32 @!p0 $0x108  }
0x21: {  	s3 =	sadd.s32 s3, s9;
	s6 =	sadd.s32 @!p0 $0x88, s6;
	s7 =	simm.s32 @p2 $0x1082  }
0x22: {  	[simem:s7], [sflag:s8] =	dma.local @!p0 [hbm:s6], $0xF7A  }
0x23: {  	s9 =	sor.u32 $0xD0000000, s2;
	s6 =	simm.s32 $0x108;
	_ =	swait.ge @!p0 [sflag:s8], $0x0  }
0x24: {  	s3 =	sadd.s32 $0x88, s3;
	s6 =	simm.s32 @!p1 $0x1082;
	[sflag:s4] =	ssyncset.s32 $0xFFFFF086  }
0x25: {  	[simem:s6], [sflag:s4] =	dma.local [hbm:s3], $0xF7A  }
0x26: {  	[smem:$0x3F9A] =	sst s1;
	(tag) =	ssettag s2;
	_ =	strace s9  }
0x27: {  	s1 =	sld [smem:$0x3FAA]  }
0x28: {  	s2 =	sld [smem:$0x3FAB]  }
0x29: {  	s4 =	sld [smem:$0x3FAD]  }
0x2a: {  	p0 =	seq.s32 s5, $0x0;
	s5 =	sld [smem:$0x3FAE]  }
0x2b: {  	s6 =	sld [smem:$0x3FAF]  }
0x2c: {  	s7 =	sld [smem:$0x3FB0]  }
0x2d: {  	s3 =	simm.s32 $0x108;
	s8 =	sld [smem:$0x3FB1]  }
0x2e: {  	s3 =	simm.s32 @!p0 $0x1082;
	s9 =	sld [smem:$0x3FB2]  }
0x2f: {  	lr =	sadd.s32 s0, s3;
	s0 =	sld [smem:$0x3FA9]  }
0x30: {  	s3 =	sld [smem:$0x3FAC]  }
0x31: {  	[smem:$0x3FB5] =	sst s10  }
0x32: {  	s10 =	sld [smem:$0x3FB3];
	_ =	sdelay $0x3  }
0x33: {  	p0 =	seq.s32 s10, $0x1;
	s10 =	sld [smem:$0x3FB5];
	_ =	sdelay $0x3  }
0x34: {  	[smem:$0x3FB5] =	sst s10  }
0x35: {  	s10 =	sld [smem:$0x3FB4];
	_ =	sdelay $0x3  }
0x36: {  	p1 =	seq.s32 s10, $0x1;
	s10 =	sld [smem:$0x3FB5];
	_ =	sdelay $0x3  }
0x37: {  	[smem:$0x3FB5] =	sst s10  }
0x38: {  	s10 =	sld [smem:$0x3FB6]  }
0x39: {  	_ = 	snop;
	(pc) =	sbr.ind lr, $3  }
0x3a: {  	_ = 	snop  }
0x3b: {  	_ = 	snop  }
0x3c: {  	p2 =	seq.s32 s10, $0x1;
	s10 =	sld [smem:$0x3FB5]  }
0x3d: {  	_ =	shalt  }
0x3e: {  	_ =	shalt  }
0x3f: {  	_ =	shalt  }
0x40: {  	_ =	shalt  }
0x41: {  	_ =	shalt  }
0x42: {  	_ =	shalt  }
0x43: {  	_ =	shalt  }
0x44: {  	_ =	shalt  }
0x45: {  	_ =	shalt  }
0x46: {  	_ =	shalt  }
0x47: {  	_ =	shalt  }
0x48: {  	_ =	shalt  }
0x49: {  	_ =	shalt  }
0x4a: {  	_ =	shalt  }
0x4b: {  	_ =	shalt  }
0x4c: {  	_ =	shalt  }
0x4d: {  	_ =	shalt  }
0x4e: {  	_ =	shalt  }
0x4f: {  	_ =	shalt  }
0x50: {  	_ =	shalt  }
0x51: {  	_ =	shalt  }
0x52: {  	_ =	shalt  }
0x53: {  	_ =	shalt  }
0x54: {  	_ =	shalt  }
0x55: {  	_ =	shalt  }
0x56: {  	_ =	shalt  }
0x57: {  	_ =	shalt  }
0x58: {  	_ =	shalt  }
0x59: {  	_ =	shalt  }
0x5a: {  	_ =	shalt  }
0x5b: {  	_ =	shalt  }
0x5c: {  	_ =	shalt  }
0x5d: {  	_ =	shalt  }
0x5e: {  	_ =	shalt  }
0x5f: {  	_ =	shalt  }
0x60: {  	_ =	shalt  }
0x61: {  	_ =	shalt  }
0x62: {  	_ =	shalt  }
0x63: {  	_ =	shalt  }
0x64: {  	_ =	shalt  }
0x65: {  	_ =	shalt  }
0x66: {  	_ =	shalt  }
0x67: {  	_ =	shalt  }
0x68: {  	_ =	shalt  }
0x69: {  	_ =	shalt  }
0x6a: {  	_ =	shalt  }
0x6b: {  	_ =	shalt  }
0x6c: {  	_ =	shalt  }
0x6d: {  	_ =	shalt  }
0x6e: {  	_ =	shalt  }
0x6f: {  	_ =	shalt  }
0x70: {  	_ =	shalt  }
0x71: {  	_ =	shalt  }
0x72: {  	_ =	shalt  }
0x73: {  	_ =	shalt  }
0x74: {  	_ =	shalt  }
0x75: {  	_ =	shalt  }
0x76: {  	_ =	shalt  }
0x77: {  	_ =	shalt  }
0x78: {  	_ =	shalt  }
0x79: {  	_ =	shalt  }
0x7a: {  	_ =	shalt  }
0x7b: {  	_ =	shalt  }
0x7c: {  	_ =	shalt  }
0x7d: {  	_ =	shalt  }
0x7e: {  	_ =	shalt  }
0x7f: {  	_ =	shalt  }
0x80: {  	_ =	shalt  }
0x81: {  	_ =	shalt  }
0x82: {  	_ =	shalt  }
0x83: {  	_ =	shalt  }
0x84: {  	_ =	shalt  }
0x85: {  	_ =	shalt  }
0x86: {  	_ =	shalt  }
0x87: {  	_ =	shalt  }
.Lfunc_end0:
.L_simem_size_0:
called_computation_lowered:
.L_overlay_start_0:
0x88: {  	s2 =	sld [smem:$0x3FD9]  }
0x89: {  	s3 =	sld [smem:$0x3FFE];
	_ =	sdelay $0x1  }
0x8a: {  	s1 =	srdreg.scid  }
0x8b: {  	s0 =	sand.u32 $0x1, s1  }
0x8c: {  	s17 =	sshll.u32 s0, $0xA;
	s2 =	sadd.s32 s3, s2  }
0x8d: {  	s2 =	sadd.s32 s2, s17  }
0x8e: {  	[smem:$0x3FC1] =	sst s2  }
0x8f: {  	_ = 	snop  }
0x90: {  	s2 =	sld [smem:$0x3FD0];
	(tm) =	ssettm $0x1  }
0x91: {  	s18 =	sld [smem:$0x3FFB];
	_ =	sdelay $0x3  }
0x92: {  	_ =	strace s18  }
0x93: {  	s3 =	sld [smem:$0x3FFC];
	_ =	sdelay $0x3  }
0x94: {  	_ =	strace s3  }
0x95: {  	s3 =	sld [smem:$0x3FFD];
	_ =	sdelay $0x3  }
0x96: {  	_ =	strace s3  }
0x97: {  	_ =	strace $0x8FFFFFFF  }
0x98: {  	s19 =	sld [smem:$0x3FDB];
	_ =	sdelay $0x1  }
0x99: {  	s4 =	simm.s32 $_scs_section_size  }
0x9a: {  	s5 =	simm.s32 $_size__tile_overlayer_lowered;
	s6 =	simm.s32 $_tile_overlayer_lowered  }
0x9b: {  	s22 =	simm.s32 $0x1BFF;
	s21 =	sshll.u32 s6, $0x1;
	s3 =	sadd.s32 s4, s19  }
0x9c: {  	s7 =	simm.s32 $0x0;
	s20 =	sshll.u32 s5, $0x1;
	s5 =	sadd.s32 s21, s3  }
0x9d: {  	[timem:s7], [sflag:s22] =	dma.local [hbm:s5], s20  }
0x9e: {  	_ =	swait.ge [sflag:s22], s20  }
0x9f: {  	s4 =	ssub.s32 $0x0, s20;
	[sflag:s22] =	ssyncset.done $0x0  }
0xa0: {  	[sflag:s22] =	ssyncadd.s32 s4;
	_ =	sdelay $0x1  }
0xa1: {  	s23 =	simm.s32 $0x1B8B  }
0xa2: {  	_ =	swait.ge [sflag:s23], $0x1  }
0xa3: {  	[sflag:s23] =	ssyncset.done $0x0  }
0xa4: {  	s25 =	simm.s32 $0x1B8E;
	s24 =	sld [smem:$0x3FFE];
	[sflag:s23] =	ssyncadd.s32 $0xFFFFFFFF  }
0xa5: {  	s26 =	simm.s32 $execute0_lowered;
	[smem:$0x3FD2] =	sst s25  }
0xa6: {  	s5 =	sshll.u32 s26, $0x1;
	_ =	strace $0x80000046;
	[dreg:$0x1] =	wrdreg $0xFFFFFFFF  }
0xa7: {  	s28 =	simm.s32 $_size_execute0_lowered;
	s3 =	sadd.s32 s3, s5;
	[dreg:$0x0] =	wrdreg $0x0  }
0xa8: {  	s5 =	sshll.u32 s28, $0x1;
	[dreg:$0x2] =	wrdreg s3  }
0xa9: {  	[dreg:$0x3] =	wrdreg s5  }
0xaa: {  	[dreg:$0x4] =	wrdreg $0xC0  }
0xab: {  	_ =	task [dreg:s7], $0x5FFFF  }
0xac: {  	[dreg:$0x1] =	wrdreg $0xFFFFFFFF  }
0xad: {  	[dreg:$0x0] =	wrdreg $0x60  }
0xae: {  	[dreg:$0x2] =	wrdreg s24  }
0xaf: {  	[dreg:$0x3] =	wrdreg s2  }
0xb0: {  	[dreg:$0x4] =	wrdreg $0x9  }
0xb1: {  	_ =	task.clear_ibuf [dreg:s7], $0x5FFFF;
	_ =	strace $0x90000046  }
0xb2: {  	s29 =	simm.s32 $0x9;
	_ =	strace $0x80000048  }
0xb3: {  	_ =	swait.ge [sflag:s29], $0x1  }
0xb4: {  	[sflag:s29] =	ssyncadd.s32 $0xFFFFFFFF  }
0xb5: {  	_ =	strace $0x90000048  }
0xb6: {  	_ =	sfence  }
0xb7: {  	s30 =	sld [smem:$0x0];
	_ =	sdelay $0x2  }
0xb8: {  	s31 =	sshll.u32 s1, $0xD;
	s1 =	sshrl.u32 s1, $0x2  }
0xb9: {  	s3 =	sand.u32 $0x4000, s31;
	s1 =	sadd.s32 s1, s30  }
0xba: {  	s0 =	sor.u32 s3, s0;
	s1 =	sshll.u32 s1, $0x11  }
0xbb: {  	s0 =	sor.u32 s1, s0  }
0xbc: {  	s0 =	sadd.s32 $0x8F2B, s0  }
0xbd: {  	[sflag:s0] =	ssyncadd.remote.s32 $0x1  }
0xbe: {  	_ =	sfence.sel $0xFFFF  }
0xbf: {  	[dreg:$0x0] =	wrdreg $0xFFFFFFFF;
	(pc) =	sbr.abs _section_cstart, $3  }
0xc0: {  	[dreg:$0x1] =	wrdreg $0xFFFFFFFF  }
0xc1: {  	_ =	task.clear_ibuf [dreg:s7], $0x2FFFF;
	_ =	strace $0x9FFFFFFF  }
0xc2: {  	(tm) =	ssettm $0x7FFFFFFF  }
0xc3: {  	_ =	shalt  }
tec
execute0_lowered:
.L_overlay_start_1:
0x0: {  	(tag) =	ssettag $0x1  }
0x1: {  	s0 =	rddreg [dreg:$0x0]  }
0x2: {  	s1 =	rddreg [dreg:$0x1]  }
0x3: {  	s2 =	srdreg.scid;
	s8 =	stileid.u32  }
0x4: {  	s9 =	simm.s32 $0x2;
	s10 =	simm.s32 $0x80;
	s24 =	simm.s32 $0x200  }
0x5: {  	s11 =	simm.s32 $0x10;
	s25 =	simm.s32 $0x210;
	s12 =	simm.s32 $0x100  }
0x6: {  	s26 =	simm.s32 $0x3A0;
	s13 =	simm.s32 $0x1;
	s14 =	simm.s32 $0x2A0  }
0x7: {  	s15 =	simm.s32 $0x220;
	s16 =	simm.s32 $0x4A0;
	s17 =	simm.s32 $0x230  }
0x8: {  	s18 =	simm.s32 $0x5A0;
	s28 =	simm.s32 $0x280;
	s29 =	simm.s32 $0xAA0  }
0x9: {  	s30 =	simm.s32 $0x290;
	s31 =	simm.s32 $0xBA0;
	s4 =	sand.u32 $0x1, s2  }
0xa: {  	s2 =	simm.s32 $0x0;
	s3 =	sshll.u32 s8, $0x4;
	s19 =	sadd.s32 $0x601000, s0  }
0xb: {  	s22 =	sshll.u32 s8, $0x11;
	s5 =	sshll.u32 s4, $0x3;
	[smem:$0x7FF] =	sst s2  }
0xc: {  	s7 =	ssub.s32 $0x2, s4;
	_ =	strace $0x80000047;
	[dreg:$0x3] =	wrdreg s19  }
0xd: {  	s4 =	sshll.u32 s4, $0x10;
	s5 =	sor.u32 s5, s3;
	[dreg:$0x4] =	wrdreg s24  }
0xe: {  	s20 =	sshrl.u32 s7, $0x1;
	s23 =	sor.u32 s4, s22;
	[dreg:$0x5] =	wrdreg s25  }
0xf: {  	v0 =	vlaneseq.u32;
	[dreg:$0x6] =	wrdreg s26;
	s19 =	simm.s32 $0x240;
	s22 =	simm.s32 $0x7A0  }
0x10: {  	v1 =	vor.u32 $0x10, v0;
	s24 =	simm.s32 $0x8A0;
	s25 =	simm.s32 $0x270;
	s3 =	sshll.u32 s5, $0x1  }
0x11: {  	v2 =	vor.u32 $0x20, v0;
	v3 =	vor.u32 $0x30, v0;
	v4 =	vor.u32 $0x40, v0;
	s26 =	simm.s32 $0x9A0;
	s5 =	smul.u32 $0x14, s5;
	s6 =	sadd.s32 s3, s0  }
0x12: {  	v5 =	vor.u32 $0x50, v0;
	v6 =	vor.u32 $0x60, v0;
	v7 =	vmul.u32 $0x10, v0;
	[dreg:$0xb] =	wrdreg s23;
	s23 =	simm.s32 $0x260;
	s21 =	sadd.s32 $0x600E00, s6  }
0x13: {  	v8 =	vor.u32 $0x70, v0;
	v9 =	vor.u32 $0x80, v0;
	v10 =	vor.u32 $0x90, v0;
	s3 =	sadd.s32 $0x605000, s0;
	s6 =	sadd.s32 $0x600C00, s6;
	[dreg:$0x7] =	wrdreg s21  }
0x14: {  	v11 =	vor.u32 $0x100, v7;
	v12 =	vor.u32 $0x200, v7;
	v13 =	vor.u32 $0x300, v7;
	s0 =	ssub.s32 s7, s20;
	s1 =	sadd.s32 s1, s5;
	[dreg:$0x8] =	wrdreg s6  }
0x15: {  	v14 =	vor.u32 $0x400, v7;
	v15 =	vor.u32 $0x500, v7;
	v16 =	vor.u32 $0x600, v7;
	s20 =	simm.s32 $0x6A0;
	s0 =	smax.u32 s0, $0x1;
	[dreg:$0x9] =	wrdreg s1  }
0x16: {  	v17 =	vor.u32 $0x700, v7;
	v18 =	vor.u32 $0x800, v7;
	v19 =	vor.u32 $0x900, v7;
	[dreg:$0xa] =	wrdreg s0;
	s21 =	simm.s32 $0x250;
	s1 =	simm.s32 $0x0  }
.LBB2_1:
0x17: {  	s0 =	rddreg [dreg:$0x7]  }
0x18: {  	[tilespmem:s2], [sflag:$0x2] =	stream.linear.gather [hbm4b:s0+s2], $0x80, $0x38;
	[tilespmem:$0x11A0] =	vst v63  }
0x19: {  	_ =	swait.ge [sflag:s9], $0x80  }
0x1a: {  	[sflag:s9] =	ssyncset.done $0x0  }
0x1b: {  	s8 =	rddreg [dreg:$0x8];
	[sflag:s9] =	ssyncadd.s32 $0xFFFFFF80  }
0x1c: {  	[tilespmem:s10], [sflag:$0x2] =	stream.linear.gather [hbm4b:s8+s2], $0x80, $0x38;
	[tilespmem:$0x11A0] =	vst v63  }
0x1d: {  	_ =	swait.ge [sflag:s9], $0x80  }
0x1e: {  	s5 =	simm.s32 $0x0;
	s6 =	simm.s32 $0x0;
	[sflag:s9] =	ssyncset.done $0x0  }
0x1f: {  	s0 =	simm.s32 $0xCF0;
	s8 =	rddreg [dreg:$0xb];
	[sflag:s9] =	ssyncadd.s32 $0xFFFFFF80  }
.LBB2_2:
0x20: {  	s7 =	rddreg [dreg:$0x3]  }
0x21: {  	[tilespmem:s12], [sflag:$0x1] =	stream.indirect.gather [hbm4b:s7+s11], $0x10, s5, s11, $0xb8;
	[tilespmem:$0x11A0] =	vst v63  }
0x22: {  	_ =	swait.ge [sflag:s13], $0x100  }
0x23: {  	[sflag:s13] =	ssyncset.done $0x0  }
0x24: {  	[sflag:s13] =	ssyncadd.s32 $0xFFFFFF00  }
0x25: {  	v23 =	vld.idx.msk [tilespmem:v0+s12+$0x0], $0xffff;
	_ =	sdelay $0x4  }
0x26: {  	v20 =	vshrl.u32 v23, $0x4  }
0x27: {  	v20 =	vadd.s32 s8, v20  }
0x28: {  	[tilespmem:$0x200] =	vst v20  }
0x29: {  	v28 =	vld.idx.msk [tilespmem:v1+s12+$0x0], $0xffff;
	_ =	sdelay $0x4  }
0x2a: {  	v20 =	vshrl.u32 v28, $0x4  }
0x2b: {  	v20 =	vadd.s32 s8, v20  }
0x2c: {  	[tilespmem:$0x210] =	vst v20  }
0x2d: {  	v29 =	vld.idx.msk [tilespmem:v2+s12+$0x0], $0xffff;
	_ =	sdelay $0x4  }
0x2e: {  	v20 =	vshrl.u32 v29, $0x4  }
0x2f: {  	v20 =	vadd.s32 s8, v20  }
0x30: {  	[tilespmem:$0x220] =	vst v20  }
0x31: {  	v27 =	vld.idx.msk [tilespmem:v3+s12+$0x0], $0xffff;
	_ =	sdelay $0x4  }
0x32: {  	v20 =	vshrl.u32 v27, $0x4  }
0x33: {  	v20 =	vadd.s32 s8, v20  }
0x34: {  	[tilespmem:$0x230] =	vst v20  }
0x35: {  	v26 =	vld.idx.msk [tilespmem:v4+s12+$0x0], $0xffff;
	_ =	sdelay $0x4  }
0x36: {  	v20 =	vshrl.u32 v26, $0x4  }
0x37: {  	v20 =	vadd.s32 s8, v20  }
0x38: {  	[tilespmem:$0x240] =	vst v20  }
0x39: {  	v25 =	vld.idx.msk [tilespmem:v5+s12+$0x0], $0xffff;
	_ =	sdelay $0x4  }
0x3a: {  	v20 =	vshrl.u32 v25, $0x4  }
0x3b: {  	v20 =	vadd.s32 s8, v20  }
0x3c: {  	[tilespmem:$0x250] =	vst v20  }
0x3d: {  	v24 =	vld.idx.msk [tilespmem:v6+s12+$0x0], $0xffff;
	_ =	sdelay $0x4  }
0x3e: {  	v20 =	vshrl.u32 v24, $0x4  }
0x3f: {  	v20 =	vadd.s32 s8, v20  }
0x40: {  	[tilespmem:$0x260] =	vst v20  }
0x41: {  	v22 =	vld.idx.msk [tilespmem:v8+s12+$0x0], $0xffff;
	_ =	sdelay $0x4  }
0x42: {  	v20 =	vshrl.u32 v22, $0x4  }
0x43: {  	v20 =	vadd.s32 s8, v20  }
0x44: {  	[tilespmem:$0x270] =	vst v20  }
0x45: {  	v21 =	vld.idx.msk [tilespmem:v9+s12+$0x0], $0xffff;
	_ =	sdelay $0x4  }
0x46: {  	v20 =	vshrl.u32 v21, $0x4  }
0x47: {  	v20 =	vadd.s32 s8, v20  }
0x48: {  	[tilespmem:$0x280] =	vst v20  }
0x49: {  	v20 =	vld.idx.msk [tilespmem:v10+s12+$0x0], $0xffff;
	_ =	sdelay $0x4  }
0x4a: {  	v30 =	vshrl.u32 v20, $0x4  }
0x4b: {  	s7 =	rddreg [dreg:$0x4];
	v30 =	vadd.s32 s8, v30  }
0x4c: {  	s4 =	rddreg [dreg:$0x5];
	[tilespmem:$0x290] =	vst v30  }
0x4d: {  	[tilespmem:s14], [sflag:$0x1] =	stream.indirect.gather [hbm4b:s3+s11], $0x10, s7, s11, $0xb8;
	[tilespmem:$0x11A0] =	vst v63  }
0x4e: {  	s2 =	rddreg [dreg:$0x6]  }
0x4f: {  	[tilespmem:s2], [sflag:$0x1] =	stream.indirect.gather [hbm4b:s3+s11], $0x10, s4, s11, $0xb8;
	[tilespmem:$0x11A0] =	vst v63  }
0x50: {  	_ = 	snop  }
0x51: {  	[tilespmem:s16], [sflag:$0x1] =	stream.indirect.gather [hbm4b:s3+s11], $0x10, s15, s11, $0xb8;
	[tilespmem:$0x11A0] =	vst v63  }
0x52: {  	_ = 	snop  }
0x53: {  	[tilespmem:s18], [sflag:$0x1] =	stream.indirect.gather [hbm4b:s3+s11], $0x10, s17, s11, $0xb8;
	[tilespmem:$0x11A0] =	vst v63  }
0x54: {  	_ = 	snop  }
0x55: {  	[tilespmem:s20], [sflag:$0x1] =	stream.indirect.gather [hbm4b:s3+s11], $0x10, s19, s11, $0xb8;
	[tilespmem:$0x11A0] =	vst v63  }
0x56: {  	_ = 	snop  }
0x57: {  	[tilespmem:s22], [sflag:$0x1] =	stream.indirect.gather [hbm4b:s3+s11], $0x10, s21, s11, $0xb8;
	[tilespmem:$0x11A0] =	vst v63  }
0x58: {  	_ = 	snop  }
0x59: {  	[tilespmem:s24], [sflag:$0x1] =	stream.indirect.gather [hbm4b:s3+s11], $0x10, s23, s11, $0xb8;
	[tilespmem:$0x11A0] =	vst v63  }
0x5a: {  	_ = 	snop  }
0x5b: {  	[tilespmem:s26], [sflag:$0x1] =	stream.indirect.gather [hbm4b:s3+s11], $0x10, s25, s11, $0xb8;
	[tilespmem:$0x11A0] =	vst v63  }
0x5c: {  	_ = 	snop  }
0x5d: {  	[tilespmem:s29], [sflag:$0x1] =	stream.indirect.gather [hbm4b:s3+s11], $0x10, s28, s11, $0xb8;
	[tilespmem:$0x11A0] =	vst v63  }
0x5e: {  	_ = 	snop  }
0x5f: {  	[tilespmem:s31], [sflag:$0x1] =	stream.indirect.gather [hbm4b:s3+s11], $0x10, s30, s11, $0xb8;
	[tilespmem:$0x11A0] =	vst v63  }
0x60: {  	_ =	swait.ge [sflag:s13], $0x100  }
0x61: {  	[sflag:s13] =	ssyncset.done $0x0  }
0x62: {  	[sflag:s13] =	ssyncadd.s32 $0xFFFFFF00  }
0x63: {  	_ =	swait.ge [sflag:s13], $0x100  }
0x64: {  	[sflag:s13] =	ssyncset.done $0x0  }
0x65: {  	[sflag:s13] =	ssyncadd.s32 $0xFFFFFF00  }
0x66: {  	_ =	swait.ge [sflag:s13], $0x100  }
0x67: {  	[sflag:s13] =	ssyncset.done $0x0  }
0x68: {  	[sflag:s13] =	ssyncadd.s32 $0xFFFFFF00  }
0x69: {  	_ =	swait.ge [sflag:s13], $0x100  }
0x6a: {  	[sflag:s13] =	ssyncset.done $0x0  }
0x6b: {  	[sflag:s13] =	ssyncadd.s32 $0xFFFFFF00  }
0x6c: {  	_ =	swait.ge [sflag:s13], $0x100  }
0x6d: {  	[sflag:s13] =	ssyncset.done $0x0  }
0x6e: {  	[sflag:s13] =	ssyncadd.s32 $0xFFFFFF00  }
0x6f: {  	_ =	swait.ge [sflag:s13], $0x100  }
0x70: {  	[sflag:s13] =	ssyncset.done $0x0  }
0x71: {  	[sflag:s13] =	ssyncadd.s32 $0xFFFFFF00  }
0x72: {  	_ =	swait.ge [sflag:s13], $0x100  }
0x73: {  	[sflag:s13] =	ssyncset.done $0x0  }
0x74: {  	[sflag:s13] =	ssyncadd.s32 $0xFFFFFF00  }
0x75: {  	_ =	swait.ge [sflag:s13], $0x100  }
0x76: {  	[sflag:s13] =	ssyncset.done $0x0  }
0x77: {  	[sflag:s13] =	ssyncadd.s32 $0xFFFFFF00  }
0x78: {  	v23 =	vand.u32 $0xF, v23;
	_ =	swait.ge [sflag:s13], $0x100  }
0x79: {  	v23 =	vor.u32 v7, v23;
	[sflag:s13] =	ssyncset.done $0x0  }
0x7a: {  	[sflag:s13] =	ssyncadd.s32 $0xFFFFFF00  }
0x7b: {  	_ =	swait.ge [sflag:s13], $0x100  }
0x7c: {  	[sflag:s13] =	ssyncset.done $0x0  }
0x7d: {  	[sflag:s13] =	ssyncadd.s32 $0xFFFFFF00  }
0x7e: {  	v23 =	vld.idx.msk [tilespmem:v23+s14+$0x0], $0xffff;
	_ =	sdelay $0x4  }
0x7f: {  	v23 =	vsub.f32 $0.0e+00, v23;
	_ =	sdelay $0x1  }
0x80: {  	s7 =	sshll.u32 s6, $0x4;
	v49 =	vmul.f32 $1.442695020e+00, v23  }
0x81: {  	v23 =	vmov s7  }
0x82: {  	(erf) = vpow2.f32 v49;
	_ =	sdelay $0x3  }
0x83: {  	v50 =	vld.idx.msk [tilespmem:v23+s10+$0x0], $0xffff;
	_ =	sdelay $0x4  }
0x84: {  	v30 =	vsub.f32 $0.0e+00, v50;
	v31 =	vpop (erf)  }
0x85: {  	v31 =	vadd.f32 $1.000000000e+00, v31  }
0x86: {  	v30 =	vmul.f32 $1.442695020e+00, v30  }
0x87: {  	(erf) = vrcp.f32 v31  }
0x88: {  	(erf) = vpow2.f32 v30;
	_ =	sdelay $0x7  }
0x89: {  	v51 =	vpop (erf)  }
0x8a: {  	v52 =	vpop (erf)  }
0x8b: {  	v31 =	vadd.f32 $1.000000000e+00, v52;
	_ =	sdelay $0x1  }
0x8c: {  	(erf) = vrcp.f32 v31;
	_ =	sdelay $0x6  }
0x8d: {  	v28 =	vand.u32 $0xF, v28  }
0x8e: {  	v28 =	vor.u32 v11, v28  }
0x8f: {  	v31 =	vpop (erf)  }
0x90: {  	v30 =	vmul.f32 v31, v51;
	_ =	sdelay $0x1  }
0x91: {  	[tilespmem:s0+$0xFFFFFFB0] =	vst v30  }
0x92: {  	v28 =	vld.idx.msk [tilespmem:v28+s14+$0x0], $0xffff;
	_ =	sdelay $0x4  }
0x93: {  	v28 =	vsub.f32 $0.0e+00, v28;
	_ =	sdelay $0x1  }
0x94: {  	v28 =	vmul.f32 $1.442695020e+00, v28  }
0x95: {  	v53 =	vor.u32 $0x1, v23  }
0x96: {  	(erf) = vpow2.f32 v28;
	_ =	sdelay $0x3  }
0x97: {  	v54 =	vld.idx.msk [tilespmem:v53+s10+$0x0], $0xffff;
	_ =	sdelay $0x4  }
0x98: {  	v28 =	vsub.f32 $0.0e+00, v54;
	v55 =	vpop (erf)  }
0x99: {  	v30 =	vadd.f32 $1.000000000e+00, v55  }
0x9a: {  	v28 =	vmul.f32 $1.442695020e+00, v28  }
0x9b: {  	(erf) = vrcp.f32 v30  }
0x9c: {  	(erf) = vpow2.f32 v28;
	_ =	sdelay $0x7  }
0x9d: {  	v56 =	vpop (erf)  }
0x9e: {  	v57 =	vpop (erf)  }
0x9f: {  	v30 =	vadd.f32 $1.000000000e+00, v57;
	_ =	sdelay $0x1  }
0xa0: {  	(erf) = vrcp.f32 v30;
	_ =	sdelay $0x6  }
0xa1: {  	v29 =	vand.u32 $0xF, v29  }
0xa2: {  	v29 =	vor.u32 v12, v29  }
0xa3: {  	v30 =	vpop (erf)  }
0xa4: {  	v28 =	vmul.f32 v30, v56;
	_ =	sdelay $0x1  }
0xa5: {  	[tilespmem:s0+$0xFFFFFFC0] =	vst v28  }
0xa6: {  	v28 =	vld.idx.msk [tilespmem:v29+s14+$0x0], $0xffff;
	_ =	sdelay $0x4  }
0xa7: {  	v28 =	vsub.f32 $0.0e+00, v28;
	_ =	sdelay $0x1  }
0xa8: {  	v28 =	vmul.f32 $1.442695020e+00, v28  }
0xa9: {  	v58 =	vor.u32 $0x2, v23  }
0xaa: {  	(erf) = vpow2.f32 v28;
	_ =	sdelay $0x3  }
0xab: {  	v59 =	vld.idx.msk [tilespmem:v58+s10+$0x0], $0xffff;
	_ =	sdelay $0x4  }
0xac: {  	v28 =	vsub.f32 $0.0e+00, v59;
	v60 =	vpop (erf)  }
0xad: {  	v29 =	vadd.f32 $1.000000000e+00, v60  }
0xae: {  	v28 =	vmul.f32 $1.442695020e+00, v28  }
0xaf: {  	(erf) = vrcp.f32 v29  }
0xb0: {  	(erf) = vpow2.f32 v28;
	_ =	sdelay $0x7  }
0xb1: {  	v61 =	vpop (erf)  }
0xb2: {  	v62 =	vpop (erf)  }
0xb3: {  	v29 =	vadd.f32 $1.000000000e+00, v62;
	_ =	sdelay $0x1  }
0xb4: {  	(erf) = vrcp.f32 v29;
	_ =	sdelay $0x6  }
0xb5: {  	v27 =	vand.u32 $0xF, v27  }
0xb6: {  	v27 =	vor.u32 v13, v27  }
0xb7: {  	v29 =	vpop (erf)  }
0xb8: {  	v28 =	vmul.f32 v29, v61;
	_ =	sdelay $0x1  }
0xb9: {  	[tilespmem:s0+$0xFFFFFFD0] =	vst v28  }
0xba: {  	v27 =	vld.idx.msk [tilespmem:v27+s14+$0x0], $0xffff;
	_ =	sdelay $0x4  }
0xbb: {  	v27 =	vsub.f32 $0.0e+00, v27;
	_ =	sdelay $0x1  }
0xbc: {  	v27 =	vmul.f32 $1.442695020e+00, v27  }
0xbd: {  	v63 =	vor.u32 $0x3, v23  }
0xbe: {  	(erf) = vpow2.f32 v27;
	_ =	sdelay $0x3  }
0xbf: {  	v32 =	vld.idx.msk [tilespmem:v63+s10+$0x0], $0xffff;
	_ =	sdelay $0x4  }
0xc0: {  	v27 =	vsub.f32 $0.0e+00, v32;
	v33 =	vpop (erf)  }
0xc1: {  	v28 =	vadd.f32 $1.000000000e+00, v33  }
0xc2: {  	v27 =	vmul.f32 $1.442695020e+00, v27  }
0xc3: {  	(erf) = vrcp.f32 v28  }
0xc4: {  	(erf) = vpow2.f32 v27;
	_ =	sdelay $0x7  }
0xc5: {  	v34 =	vpop (erf)  }
0xc6: {  	v35 =	vpop (erf)  }
0xc7: {  	v28 =	vadd.f32 $1.000000000e+00, v35;
	_ =	sdelay $0x1  }
0xc8: {  	(erf) = vrcp.f32 v28;
	_ =	sdelay $0x6  }
0xc9: {  	v26 =	vand.u32 $0xF, v26  }
0xca: {  	v26 =	vor.u32 v14, v26  }
0xcb: {  	v28 =	vpop (erf)  }
0xcc: {  	v27 =	vmul.f32 v28, v34;
	_ =	sdelay $0x1  }
0xcd: {  	[tilespmem:s0+$0xFFFFFFE0] =	vst v27  }
0xce: {  	v26 =	vld.idx.msk [tilespmem:v26+s14+$0x0], $0xffff;
	_ =	sdelay $0x4  }
0xcf: {  	v26 =	vsub.f32 $0.0e+00, v26;
	_ =	sdelay $0x1  }
0xd0: {  	v26 =	vmul.f32 $1.442695020e+00, v26  }
0xd1: {  	v36 =	vor.u32 $0x4, v23  }
0xd2: {  	(erf) = vpow2.f32 v26;
	_ =	sdelay $0x3  }
0xd3: {  	v37 =	vld.idx.msk [tilespmem:v36+s10+$0x0], $0xffff;
	_ =	sdelay $0x4  }
0xd4: {  	v26 =	vsub.f32 $0.0e+00, v37;
	v38 =	vpop (erf)  }
0xd5: {  	v27 =	vadd.f32 $1.000000000e+00, v38  }
0xd6: {  	v26 =	vmul.f32 $1.442695020e+00, v26  }
0xd7: {  	(erf) = vrcp.f32 v27  }
0xd8: {  	(erf) = vpow2.f32 v26;
	_ =	sdelay $0x7  }
0xd9: {  	v39 =	vpop (erf)  }
0xda: {  	v40 =	vpop (erf)  }
0xdb: {  	v27 =	vadd.f32 $1.000000000e+00, v40;
	_ =	sdelay $0x1  }
0xdc: {  	(erf) = vrcp.f32 v27;
	_ =	sdelay $0x6  }
0xdd: {  	v25 =	vand.u32 $0xF, v25  }
0xde: {  	v25 =	vor.u32 v15, v25  }
0xdf: {  	v27 =	vpop (erf)  }
0xe0: {  	v26 =	vmul.f32 v27, v39;
	_ =	sdelay $0x1  }
0xe1: {  	[tilespmem:s0+$0xFFFFFFF0] =	vst v26  }
0xe2: {  	v25 =	vld.idx.msk [tilespmem:v25+s14+$0x0], $0xffff;
	_ =	sdelay $0x4  }
0xe3: {  	v25 =	vsub.f32 $0.0e+00, v25;
	_ =	sdelay $0x1  }
0xe4: {  	v25 =	vmul.f32 $1.442695020e+00, v25  }
0xe5: {  	v41 =	vor.u32 $0x5, v23  }
0xe6: {  	(erf) = vpow2.f32 v25;
	_ =	sdelay $0x3  }
0xe7: {  	v42 =	vld.idx.msk [tilespmem:v41+s10+$0x0], $0xffff;
	_ =	sdelay $0x4  }
0xe8: {  	v25 =	vsub.f32 $0.0e+00, v42;
	v43 =	vpop (erf)  }
0xe9: {  	v26 =	vadd.f32 $1.000000000e+00, v43  }
0xea: {  	v25 =	vmul.f32 $1.442695020e+00, v25  }
0xeb: {  	(erf) = vrcp.f32 v26  }
0xec: {  	(erf) = vpow2.f32 v25;
	_ =	sdelay $0x7  }
0xed: {  	v44 =	vpop (erf)  }
0xee: {  	v45 =	vpop (erf)  }
0xef: {  	v26 =	vadd.f32 $1.000000000e+00, v45;
	_ =	sdelay $0x1  }
0xf0: {  	(erf) = vrcp.f32 v26;
	_ =	sdelay $0x6  }
0xf1: {  	v24 =	vand.u32 $0xF, v24  }
0xf2: {  	v24 =	vor.u32 v16, v24  }
0xf3: {  	v26 =	vpop (erf)  }
0xf4: {  	v25 =	vmul.f32 v26, v44;
	_ =	sdelay $0x1  }
0xf5: {  	[tilespmem:s0+$0x0] =	vst v25  }
0xf6: {  	v24 =	vld.idx.msk [tilespmem:v24+s14+$0x0], $0xffff;
	_ =	sdelay $0x4  }
0xf7: {  	v24 =	vsub.f32 $0.0e+00, v24;
	_ =	sdelay $0x1  }
0xf8: {  	v24 =	vmul.f32 $1.442695020e+00, v24  }
0xf9: {  	v46 =	vor.u32 $0x6, v23  }
0xfa: {  	(erf) = vpow2.f32 v24;
	_ =	sdelay $0x3  }
0xfb: {  	v47 =	vld.idx.msk [tilespmem:v46+s10+$0x0], $0xffff;
	_ =	sdelay $0x4  }
0xfc: {  	v24 =	vsub.f32 $0.0e+00, v47;
	v48 =	vpop (erf)  }
0xfd: {  	v25 =	vadd.f32 $1.000000000e+00, v48  }
0xfe: {  	v24 =	vmul.f32 $1.442695020e+00, v24  }
0xff: {  	(erf) = vrcp.f32 v25  }
0x100: {  	(erf) = vpow2.f32 v24;
	_ =	sdelay $0x7  }
0x101: {  	v49 =	vpop (erf)  }
0x102: {  	v50 =	vpop (erf)  }
0x103: {  	v25 =	vadd.f32 $1.000000000e+00, v50;
	_ =	sdelay $0x1  }
0x104: {  	(erf) = vrcp.f32 v25;
	_ =	sdelay $0x6  }
0x105: {  	v22 =	vand.u32 $0xF, v22  }
0x106: {  	v22 =	vor.u32 v17, v22  }
0x107: {  	v25 =	vpop (erf)  }
0x108: {  	v24 =	vmul.f32 v25, v49;
	_ =	sdelay $0x1  }
0x109: {  	[tilespmem:s0+$0x10] =	vst v24  }
0x10a: {  	v22 =	vld.idx.msk [tilespmem:v22+s14+$0x0], $0xffff;
	_ =	sdelay $0x4  }
0x10b: {  	v22 =	vsub.f32 $0.0e+00, v22;
	_ =	sdelay $0x1  }
0x10c: {  	v22 =	vmul.f32 $1.442695020e+00, v22  }
0x10d: {  	v51 =	vor.u32 $0x7, v23  }
0x10e: {  	(erf) = vpow2.f32 v22;
	_ =	sdelay $0x3  }
0x10f: {  	v52 =	vld.idx.msk [tilespmem:v51+s10+$0x0], $0xffff;
	_ =	sdelay $0x4  }
0x110: {  	v22 =	vsub.f32 $0.0e+00, v52;
	v53 =	vpop (erf)  }
0x111: {  	v24 =	vadd.f32 $1.000000000e+00, v53  }
0x112: {  	v22 =	vmul.f32 $1.442695020e+00, v22  }
0x113: {  	(erf) = vrcp.f32 v24  }
0x114: {  	(erf) = vpow2.f32 v22;
	_ =	sdelay $0x7  }
0x115: {  	v54 =	vpop (erf)  }
0x116: {  	v55 =	vpop (erf)  }
0x117: {  	v24 =	vadd.f32 $1.000000000e+00, v55;
	_ =	sdelay $0x1  }
0x118: {  	(erf) = vrcp.f32 v24;
	_ =	sdelay $0x6  }
0x119: {  	v21 =	vand.u32 $0xF, v21  }
0x11a: {  	v21 =	vor.u32 v18, v21  }
0x11b: {  	v24 =	vpop (erf)  }
0x11c: {  	v22 =	vmul.f32 v24, v54;
	_ =	sdelay $0x1  }
0x11d: {  	[tilespmem:s0+$0x20] =	vst v22  }
0x11e: {  	v21 =	vld.idx.msk [tilespmem:v21+s14+$0x0], $0xffff;
	_ =	sdelay $0x4  }
0x11f: {  	v21 =	vsub.f32 $0.0e+00, v21;
	_ =	sdelay $0x1  }
0x120: {  	v21 =	vmul.f32 $1.442695020e+00, v21  }
0x121: {  	v56 =	vor.u32 $0x8, v23  }
0x122: {  	(erf) = vpow2.f32 v21;
	_ =	sdelay $0x3  }
0x123: {  	v57 =	vld.idx.msk [tilespmem:v56+s10+$0x0], $0xffff;
	_ =	sdelay $0x4  }
0x124: {  	v21 =	vsub.f32 $0.0e+00, v57;
	v58 =	vpop (erf)  }
0x125: {  	v22 =	vadd.f32 $1.000000000e+00, v58  }
0x126: {  	v21 =	vmul.f32 $1.442695020e+00, v21  }
0x127: {  	(erf) = vrcp.f32 v22  }
0x128: {  	(erf) = vpow2.f32 v21;
	_ =	sdelay $0x7  }
0x129: {  	v59 =	vpop (erf)  }
0x12a: {  	v60 =	vpop (erf)  }
0x12b: {  	v22 =	vadd.f32 $1.000000000e+00, v60;
	_ =	sdelay $0x1  }
0x12c: {  	(erf) = vrcp.f32 v22;
	_ =	sdelay $0x6  }
0x12d: {  	v20 =	vand.u32 $0xF, v20  }
0x12e: {  	v20 =	vor.u32 v19, v20  }
0x12f: {  	v22 =	vpop (erf)  }
0x130: {  	v21 =	vmul.f32 v22, v59;
	_ =	sdelay $0x1  }
0x131: {  	[tilespmem:s0+$0x30] =	vst v21  }
0x132: {  	v20 =	vld.idx.msk [tilespmem:v20+s14+$0x0], $0xffff;
	_ =	sdelay $0x4  }
0x133: {  	v20 =	vsub.f32 $0.0e+00, v20;
	_ =	sdelay $0x1  }
0x134: {  	v20 =	vmul.f32 $1.442695020e+00, v20  }
0x135: {  	v61 =	vor.u32 $0x9, v23  }
0x136: {  	(erf) = vpow2.f32 v20;
	_ =	sdelay $0x3  }
0x137: {  	v20 =	vld.idx.msk [tilespmem:v61+s10+$0x0], $0xffff;
	_ =	sdelay $0x4  }
0x138: {  	v20 =	vsub.f32 $0.0e+00, v20;
	v62 =	vpop (erf)  }
0x139: {  	v21 =	vadd.f32 $1.000000000e+00, v62  }
0x13a: {  	v20 =	vmul.f32 $1.442695020e+00, v20  }
0x13b: {  	(erf) = vrcp.f32 v21  }
0x13c: {  	(erf) = vpow2.f32 v20;
	_ =	sdelay $0x7  }
0x13d: {  	v20 =	vpop (erf)  }
0x13e: {  	v63 =	vpop (erf)  }
0x13f: {  	v21 =	vadd.f32 $1.000000000e+00, v63;
	_ =	sdelay $0x1  }
0x140: {  	(erf) = vrcp.f32 v21;
	_ =	sdelay $0x6  }
0x141: {  	p0 =	sne.s32 s6, $0x7  }
.Ltmp0:
0x142: {  	_ = 	snop;
	(pc) =	sbr.rel @p0 .LBB2_2-.Ltmp0, $4  }
0x143: {  	v21 =	vpop (erf)  }
0x144: {  	v20 =	vmul.f32 v21, v20  }
0x145: {  	s5 =	sadd.s32 $0x10, s5  }
0x146: {  	s8 =	sadd.s32 $0x2000, s8;
	s6 =	sadd.s32 $0x1, s6;
	[tilespmem:s0+$0x40] =	vst v20;
	s0 =	sadd.s32 $0xA0, s0  }
0x147: {  	s2 =	simm.s32 $0x0;
	s0 =	rddreg [dreg:$0x9];
	s4 =	simm.s32 $0xCA0  }
0x148: {  	[hbm4b:s0+s2] =	stream.linear.scatter [tilespmem:s4], [sflag:$0x2], $0x500, $0x38;
	[tilespmem:$0x11A0] =	vst v63  }
0x149: {  	_ =	swait.ge [sflag:s9], $0x500  }
0x14a: {  	s1 =	sadd.s32 $0x1, s1;
	s8 =	rddreg [dreg:$0xa]  }
0x14b: {  	p0 =	sne.s32 s1, s8  }
.Ltmp1:
0x14c: {  	_ = 	snop;
	(pc) =	sbr.rel @p0 .LBB2_1-.Ltmp1, $3  }
0x14d: {  	_ =	sdelay $0x1  }
0x14e: {  	[sflag:s9] =	ssyncset.done $0x0  }
0x14f: {  	[sflag:s9] =	ssyncadd.s32 $0xFFFFFB00  }
0x150: {  	_ =	sfence.sel $0x180000  }
0x151: {  	[bflag:$0x0] =	sbarrier.arrive $0xFFFF  }
0x152: {  	_ =	strace $0x90000047  }
0x153: {  	s0 =	stileid.u32;
	[bflag:$0x2] =	sbarrier.arrive $0xFFFF  }
0x154: {  	p0 =	sne.s32 s0, $0x0;
	s0 =	rddreg [dreg:$0x2]  }
0x155: {  	s0 =	sadd.s32 @!p0 $0x100000, s0  }
0x156: {  	[sflag:s0] =	ssyncadd.tile.s32 @!p0 $0x1;
	_ =	shalt  }
.Lfunc_end2:
_tile_overlayer_lowered:
.L_overlay_start_2:
0x157: {  	(tag) =	ssettag $0x2  }
0x158: {  	s0 =	rddreg [dreg:$0x0];
	s2 =	stileid.u32  }
0x159: {  	s1 =	rddreg [dreg:$0x1];
	p0 =	sne.s32 s2, $0x0  }
0x15a: {  	s3 =	rddreg [dreg:$0x2];
	[bflag:$0x3] =	sbarrier.arrive $0xFFFF;
	s2 =	simm.s32 @!p0 $0x1C02  }
0x15b: {  	[timem:s3], [sflag:s2] =	dma.local @!p0 [hbm:s0], s1  }
0x15c: {  	s0 =	simm.s32 @!p0 $0x2  }
0x15d: {  	_ =	swait.ge @!p0 [sflag:s0], s1  }
0x15e: {  	s1 =	ssub.s32 @!p0 $0x0, s1;
	[sflag:s0] =	ssyncset.done @!p0 $0x0  }
0x15f: {  	[sflag:s0] =	ssyncadd.s32 @!p0 s1  }
0x160: {  	[bflag:$0x3] =	sbarrier.arrive $0xFFFF  }
0x161: {  	_ =	shalt  }

</sc_bundles>
